<compile_context>
chip_gen: v7x
topology: tpu7x:2x2x1
jax: 0.10.2.dev20260603
libtpu: 0.0.44.dev20260713+nightly
codegen_flags: <defaults>
</compile_context>

<pallas_src>
import functools
import math

import jax
import jax.numpy as jnp
import numpy as np
from jax import lax
from jax.experimental import pallas as pl
from jax.experimental.pallas import tpu as pltpu
from jax.experimental.pallas import tpu_sc as plsc

H = 128
N = 10000
E = 320000
K = 8000
NUM_CLASSES = 10
INV = 1.0 / math.sqrt(1.0 + 1e-5)
SQ = float(np.sqrt(np.float32(1.0 + 1e-5)))

NSUB = 16
CH = 128
CHUNKS = 158
EP = NSUB * CH * CHUNKS
NACC = 10240
RPS = NACC // NSUB


def _dot(a, b, prec=None):
    return lax.dot_general(a, b, (((1,), (0,)), ((), ())), precision=prec)



def _tcb_body(agg_ref, x1_ref, x2_ref, w1r_ref, w1s_ref, b1_ref, g1_ref,
              bb1_ref, w2r_ref, w2s_ref, b2_ref, g2_ref, bb2_ref,
              p1_ref, p2_ref, h1_ref, h2_ref, sc_ref):
    gc1 = _dot(agg_ref[0, :N, :], w1r_ref[...]) + _dot(x1_ref[...], w1s_ref[...]) \
        + b1_ref[...][None, :]
    h1 = jax.nn.relu(gc1 * g1_ref[...][None, :] / SQ + bb1_ref[...][None, :])
    gc2 = _dot(agg_ref[1, :N, :], w2r_ref[...]) + _dot(x2_ref[...], w2s_ref[...]) \
        + b2_ref[...][None, :]
    h2 = jax.nn.relu(gc2 * g2_ref[...][None, :] / SQ + bb2_ref[...][None, :])
    h1_ref[...] = h1
    h2_ref[...] = h2
    sc_ref[...] = jnp.tanh(_dot(h1, p1_ref[...]) + _dot(h2, p2_ref[...]))


def _tcb(agg, x1, x2, w1r, w1s, b1, g1, bb1, w2r, w2s, b2, g2, bb2, p1u, p2u):
    return pl.pallas_call(
        _tcb_body,
        out_shape=(jax.ShapeDtypeStruct((N, H), jnp.float32),
                   jax.ShapeDtypeStruct((N, H), jnp.float32),
                   jax.ShapeDtypeStruct((N, 1), jnp.float32)),
    )(agg, x1, x2, w1r, w1s, b1, g1, bb1, w2r, w2s, b2, g2, bb2, p1u, p2u)


def _zmask_body(h1_ref, h2_ref, sv_ref, z1_ref, z2_ref):
    sv = sv_ref[...]
    z1_ref[...] = h1_ref[...] * sv
    z2_ref[...] = h2_ref[...] * sv


def _zmask(h1, h2, sv):
    return pl.pallas_call(
        _zmask_body,
        out_shape=(jax.ShapeDtypeStruct((N, H), jnp.float32),
                   jax.ShapeDtypeStruct((N, H), jnp.float32)),
    )(h1, h2, sv)


def _tcd_body(agg_ref, z1_ref, z2_ref, w3r_ref, w3s_ref, b3_ref, g3_ref,
              bb3_ref, w4r_ref, w4s_ref, b4_ref, g4_ref, bb4_ref, sel_ref,
              g5_ref, b5_ref, lw_ref, lb_ref, out_ref):
    sel = sel_ref[...]
    gc3 = _dot(agg_ref[0, :N, :], w3r_ref[...]) + _dot(z1_ref[...], w3s_ref[...]) \
        + b3_ref[...][None, :]
    o1 = jax.nn.relu(gc3 * g3_ref[...][None, :] / SQ + bb3_ref[...][None, :]) * sel
    gc4 = _dot(agg_ref[1, :N, :], w4r_ref[...]) + _dot(z2_ref[...], w4s_ref[...]) \
        + b4_ref[...][None, :]
    o2 = jax.nn.relu(gc4 * g4_ref[...][None, :] / SQ + bb4_ref[...][None, :]) * sel
    xg = [jnp.max(o1, axis=0, keepdims=True),
          jnp.sum(o1, axis=0, keepdims=True) * (1.0 / K),
          jnp.max(o2, axis=0, keepdims=True),
          jnp.sum(o2, axis=0, keepdims=True) * (1.0 / K)]
    logits = lb_ref[...][None, :]
    for c in range(4):
        g5c = g5_ref[c * H:(c + 1) * H]
        b5c = b5_ref[c * H:(c + 1) * H]
        xgc = (xg[c] * g5c[None, :]) / SQ + b5c[None, :]
        logits = logits + _dot(xgc, lw_ref[c * H:(c + 1) * H, :])
    m = jnp.max(logits, axis=1, keepdims=True)
    e = jnp.exp(logits - m)
    out_ref[...] = e / jnp.sum(e, axis=1, keepdims=True)


def _tcd(agg, z1, z2, w3r, w3s, b3, g3, bb3, w4r, w4s, b4, g4, bb4, sel,
         g5, b5, lw, lb):
    return pl.pallas_call(
        _tcd_body,
        out_shape=jax.ShapeDtypeStruct((1, NUM_CLASSES), jnp.float32),
    )(agg, z1, z2, w3r, w3s, b3, g3, bb3, w4r, w4s, b4, g4, bb4, sel,
      g5, b5, lw, lb)



@functools.partial(
    pl.kernel,
    out_type=jax.ShapeDtypeStruct((2, NACC, H), jnp.float32),
    mesh=plsc.VectorSubcoreMesh(core_axis_name="c", subcore_axis_name="s"),
    scratch_types=[
        pltpu.VMEM((CH,), jnp.int32),
        pltpu.VMEM((CH,), jnp.int32),
        pltpu.VMEM((CH, H), jnp.float32),
        pltpu.VMEM((CH,), jnp.int32),
        pltpu.VMEM((CH,), jnp.int32),
        pltpu.VMEM((CH, H), jnp.float32),
        pltpu.VMEM_SHARED((NACC, H), jnp.float32),
        pltpu.SemaphoreType.DMA,
        pltpu.SemaphoreType.DMA,
    ],
)
def _sc_segsum2(y1_hbm, src1_hbm, dst1_hbm, y2_hbm, src2_hbm, dst2_hbm,
                zeros_hbm, out_hbm, srca, dsta, rowsa, srcb, dstb, rowsb,
                acc, sema, semb):
    c = lax.axis_index("c")
    s = lax.axis_index("s")

    def run(y_hbm, src_hbm, dst_hbm, out_m):
        rbase = s * RPS
        pltpu.sync_copy(zeros_hbm.at[pl.ds(rbase, RPS)], acc.at[pl.ds(rbase, RPS)])
        plsc.subcore_barrier()
        ebase = s * (CHUNKS * CH)

        pltpu.sync_copy(src_hbm.at[pl.ds(ebase, CH)], srca)
        pltpu.sync_copy(dst_hbm.at[pl.ds(ebase, CH)], dsta)
        pltpu.async_copy(y_hbm.at[srca], rowsa, sema)

        @pl.loop(0, CHUNKS // 2)
        def _(t):
            offb = ebase + (2 * t + 1) * CH
            pltpu.sync_copy(src_hbm.at[pl.ds(offb, CH)], srcb)
            pltpu.sync_copy(dst_hbm.at[pl.ds(offb, CH)], dstb)
            pltpu.async_copy(y_hbm.at[srcb], rowsb, semb)
            pltpu.make_async_copy(y_hbm.at[srca], rowsa, sema).wait()
            pltpu.sync_copy(rowsa, acc.at[dsta], add=True)

            @pl.when(t < CHUNKS // 2 - 1)
            def _():
                offa = ebase + (2 * t + 2) * CH
                pltpu.sync_copy(src_hbm.at[pl.ds(offa, CH)], srca)
                pltpu.sync_copy(dst_hbm.at[pl.ds(offa, CH)], dsta)
                pltpu.async_copy(y_hbm.at[srca], rowsa, sema)

            pltpu.make_async_copy(y_hbm.at[srcb], rowsb, semb).wait()
            pltpu.sync_copy(rowsb, acc.at[dstb], add=True)

        plsc.subcore_barrier()
        pltpu.sync_copy(acc.at[pl.ds(rbase, RPS)], out_m.at[pl.ds(rbase, RPS)])

    @pl.when(c == 0)
    def _():
        run(y1_hbm, src1_hbm, dst1_hbm, out_hbm.at[0])

    @pl.when(c == 1)
    def _():
        run(y2_hbm, src2_hbm, dst2_hbm, out_hbm.at[1])


def _pad_edges(ei):
    src = jnp.concatenate([ei[0], jnp.zeros((EP - E,), jnp.int32)])
    dst = jnp.concatenate([ei[1], jnp.full((EP - E,), N, jnp.int32)])
    return src, dst



def kernel(x1, edge_index1, x2, edge_index2, params):
    p = params
    src1, dst1 = _pad_edges(edge_index1)
    src2, dst2 = _pad_edges(edge_index2)
    zeros = jnp.zeros((NACC, H), jnp.float32)
    p1u = (p['p1'] / jnp.linalg.norm(p['p1']))[:, None]
    p2u = (p['p2'] / jnp.linalg.norm(p['p2']))[:, None]

    agg = _sc_segsum2(x1, src1, dst1, x2, src2, dst2, zeros)
    h1, h2, score = _tcb(agg, x1, x2, p['c1_Wr'], p['c1_Ws'], p['c1_b'],
                         p['n1_g'], p['n1_b'], p['c2_Wr'], p['c2_Ws'],
                         p['c2_b'], p['n2_g'], p['n2_b'], p1u, p2u)

    score1 = score[:, 0]
    topv, perm = lax.top_k(score1, K)
    sel = jnp.zeros((N,), jnp.float32).at[perm].set(1.0)
    sv = (score1 * sel)[:, None]

    z1, z2 = _zmask(h1, h2, sv)
    agg2 = _sc_segsum2(z1, src1, dst1, z2, src2, dst2, zeros)
    probs = _tcd(agg2, z1, z2, p['c3_Wr'], p['c3_Ws'], p['c3_b'], p['n3_g'],
                 p['n3_b'], p['c4_Wr'], p['c4_Ws'], p['c4_b'], p['n4_g'],
                 p['n4_b'], sel[:, None], p['n5_g'], p['n5_b'],
                 p['lin_W'], p['lin_b'])
    return probs, topv

# --- scband reference (transcript-rebuilt; emitter-appended) ---
"""Pipeline reference for scband-mmgnn-46437186404695 (READ-ONLY COPY).

The authoritative reference and input builder live on the scoring server;
editing this copy changes nothing except your own understanding.
"""

import jax, jax.numpy as jnp
import numpy as np
import math

H = 128
N = 10000
E = 320000
NUM_CLASSES = 10
RATIO = 0.8
EPS = 1e-5


def setup_inputs(seed: int = 0):
    key = jax.random.key(seed)
    ks = jax.random.split(key, 24)
    x1 = jax.random.normal(ks[0], (N, H), dtype=jnp.float32)
    x2 = jax.random.normal(ks[1], (N, H), dtype=jnp.float32)
    edge_index1 = jax.random.randint(ks[2], (2, E), 0, N, dtype=jnp.int32)
    edge_index2 = jax.random.randint(ks[3], (2, E), 0, N, dtype=jnp.int32)

    def pr(i, shape, scale=0.05):
        return scale * jax.random.normal(ks[i], shape, dtype=jnp.float32)

    params = {
        'c1_Wr': pr(4, (H, H)), 'c1_Ws': pr(5, (H, H)), 'c1_b': jnp.zeros((H,), jnp.float32),
        'c2_Wr': pr(6, (H, H)), 'c2_Ws': pr(7, (H, H)), 'c2_b': jnp.zeros((H,), jnp.float32),
        'c3_Wr': pr(8, (H, H)), 'c3_Ws': pr(9, (H, H)), 'c3_b': jnp.zeros((H,), jnp.float32),
        'c4_Wr': pr(10, (H, H)), 'c4_Ws': pr(11, (H, H)), 'c4_b': jnp.zeros((H,), jnp.float32),
        'p1': pr(12, (H,), 0.2), 'p2': pr(13, (H,), 0.2),
        'n1_g': jnp.ones((H,), jnp.float32), 'n1_b': jnp.zeros((H,), jnp.float32),
        'n2_g': jnp.ones((H,), jnp.float32), 'n2_b': jnp.zeros((H,), jnp.float32),
        'n3_g': jnp.ones((H,), jnp.float32), 'n3_b': jnp.zeros((H,), jnp.float32),
        'n4_g': jnp.ones((H,), jnp.float32), 'n4_b': jnp.zeros((H,), jnp.float32),
        'n5_g': jnp.ones((4 * H,), jnp.float32), 'n5_b': jnp.zeros((4 * H,), jnp.float32),
        'lin_W': pr(14, (4 * H, NUM_CLASSES)), 'lin_b': jnp.zeros((NUM_CLASSES,), jnp.float32),
    }
    return {'x1': x1, 'edge_index1': edge_index1, 'x2': x2, 'edge_index2': edge_index2, 'params': params}


def _graph_conv(x, ei, Wr, Ws, b):
    # PyG GraphConv: out = lin_rel(sum_{j->i} x_j) + lin_root(x_i)
    n = x.shape[0]
    msg = x[ei[0]]
    agg = jax.ops.segment_sum(msg, ei[1], num_segments=n + 1)[:n]
    return agg @ Wr + x @ Ws + b


def _bn(x, g, b):
    # BatchNorm in eval mode with running_mean=0, running_var=1
    return x * g / jnp.sqrt(1.0 + EPS) + b


def _forward(x1, x2, p, ei1, ei2):
    h1 = jax.nn.relu(_bn(_graph_conv(x1, ei1, p['c1_Wr'], p['c1_Ws'], p['c1_b']), p['n1_g'], p['n1_b']))
    h2 = jax.nn.relu(_bn(_graph_conv(x2, ei2, p['c2_Wr'], p['c2_Ws'], p['c2_b']), p['n2_g'], p['n2_b']))
    # dropout is identity in eval mode
    n = h1.shape[0]
    k = int(math.ceil(RATIO * n))
    # MMTopKPool: joint score over both modalities (TopKPooling-style, tanh nonlinearity)
    score = jnp.tanh(h1 @ p['p1'] / jnp.linalg.norm(p['p1']) + h2 @ p['p2'] / jnp.linalg.norm(p['p2']))
    topv, perm = jax.lax.top_k(score, k)
    h1p = h1[perm] * topv[:, None]
    h2p = h2[perm] * topv[:, None]
    inv = jnp.full((n,), -1, dtype=jnp.int32).at[perm].set(jnp.arange(k, dtype=jnp.int32))

    def remap(ei):
        a = inv[ei[0]]
        c = inv[ei[1]]
        valid = (a >= 0) & (c >= 0)
        # invalid edges are routed to dummy segment k (dropped inside _graph_conv)
        return jnp.stack([jnp.where(valid, a, k), jnp.where(valid, c, k)])

    e1p = remap(ei1)
    e2p = remap(ei2)
    h1p = jax.nn.relu(_bn(_graph_conv(h1p, e1p, p['c3_Wr'], p['c3_Ws'], p['c3_b']), p['n3_g'], p['n3_b']))
    h2p = jax.nn.relu(_bn(_graph_conv(h2p, e2p, p['c4_Wr'], p['c4_Ws'], p['c4_b']), p['n4_g'], p['n4_b']))
    # batch=None -> single graph: global max/mean pool over all nodes
    g1 = jnp.concatenate([jnp.max(h1p, axis=0), jnp.mean(h1p, axis=0)])[None, :]
    g2 = jnp.concatenate([jnp.max(h2p, axis=0), jnp.mean(h2p, axis=0)])[None, :]
    xg = _bn(jnp.concatenate([g1, g2], axis=1), p['n5_g'], p['n5_b'])
    logits = xg @ p['lin_W'] + p['lin_b']
    probs = jax.nn.softmax(logits, axis=1)
    # torch .squeeze(1) is a no-op here since dim 1 == NUM_CLASSES != 1
    return probs, topv


def reference(x1, edge_index1, x2, edge_index2, params):
    return _forward(x1, x2, params, edge_index1, edge_index2)

if __name__ == "__main__":
    import jax
    _d = setup_inputs()
    print(jax.jit(kernel)(*tuple(_d.values())))

</pallas_src>

<mosaic_0001>
#map = affine_map<(d0, d1) -> (0, 0)>
#map1 = affine_map<(d0, d1) -> (0)>
#map2 = affine_map<(d0, d1) -> (0, 0, 0)>
module attributes {stable_mosaic.version = 14 : i64} {
  func.func @_sc_segsum2(%arg0: i32, %arg1: i32, %arg2: memref<10000x128xf32, #tpu.memory_space<hbm>>, %arg3: memref<323584xi32, #tpu.memory_space<hbm>>, %arg4: memref<323584xi32, #tpu.memory_space<hbm>>, %arg5: memref<10000x128xf32, #tpu.memory_space<hbm>>, %arg6: memref<323584xi32, #tpu.memory_space<hbm>>, %arg7: memref<323584xi32, #tpu.memory_space<hbm>>, %arg8: memref<10240x128xf32, #tpu.memory_space<hbm>>, %arg9: memref<2x10240x128xf32, #tpu.memory_space<hbm>>, %arg10: memref<128xi32, #tpu.memory_space<vmem>>, %arg11: memref<128xi32, #tpu.memory_space<vmem>>, %arg12: memref<128x128xf32, #tpu.memory_space<vmem>>, %arg13: memref<128xi32, #tpu.memory_space<vmem>>, %arg14: memref<128xi32, #tpu.memory_space<vmem>>, %arg15: memref<128x128xf32, #tpu.memory_space<vmem>>, %arg16: memref<10240x128xf32, #tpu.memory_space<vmem_shared>>, %arg17: memref<!tpu.dma_semaphore, #tpu.memory_space<semaphore_mem>>, %arg18: memref<!tpu.dma_semaphore, #tpu.memory_space<semaphore_mem>>) attributes {dimension_semantics = [#tpu.dimension_semantics<core_parallel>, #tpu.dimension_semantics<subcore_parallel>], iteration_bounds = array<i64: 2, 16>, scalar_prefetch = 0 : i64, scratch_operands = 9 : i64, tpu.core_type = #tpu.core_type<sc_vector_subcore>, window_params = [{transform_indices = #map}, {transform_indices = #map1}, {transform_indices = #map1}, {transform_indices = #map}, {transform_indices = #map1}, {transform_indices = #map1}, {transform_indices = #map}, {transform_indices = #map2}]} {
    %eq3A = arith.constant 0 : i32
    %eq3A_0 = arith.cmpi eq, %arg0, %eq3A : i32
    %convert_element_type3A = arith.extui %eq3A_0 : i1 to i32
    %cond3A = arith.constant 0 : i32
    %cond3A_1 = arith.cmpi ne, %convert_element_type3A, %cond3A : i32
    scf.if %cond3A_1 {
      %mul3A = arith.constant 640 : i32
      %mul3A_7 = arith.muli %arg1, %mul3A : i32
      "tpu.region"() ({
        %run_scoped3A_17 = tpu.sem_alloc : memref<!tpu.dma_semaphore, #tpu.memory_space<semaphore_mem>>
        %dma_start3A_18 = arith.constant 0 : i32
        %dma_start3A_19 = tpu.memref_slice %arg16[%mul3A_7, %dma_start3A_18] : memref<10240x128xf32, #tpu.memory_space<vmem_shared>> -> memref<640x128xf32, #tpu.memory_space<vmem_shared>>
        %dma_start3A_20 = arith.constant 0 : i32
        %dma_start3A_21 = tpu.memref_slice %arg8[%mul3A_7, %dma_start3A_20] : memref<10240x128xf32, #tpu.memory_space<hbm>> -> memref<640x128xf32, #tpu.memory_space<hbm>>
        tpu.enqueue_dma source(%dma_start3A_21 : memref<640x128xf32, #tpu.memory_space<hbm>>) target(%dma_start3A_19 : memref<640x128xf32, #tpu.memory_space<vmem_shared>>) target_semaphore(%run_scoped3A_17 : memref<!tpu.dma_semaphore, #tpu.memory_space<semaphore_mem>>)
        %dma_wait3A = arith.constant 0 : i32
        %dma_wait3A_22 = tpu.memref_slice %arg16[%mul3A_7, %dma_wait3A] : memref<10240x128xf32, #tpu.memory_space<vmem_shared>> -> memref<640x128xf32, #tpu.memory_space<vmem_shared>>
        %dma_wait3A_23 = arith.constant 0 : i32
        %dma_wait3A_24 = tpu.memref_slice %arg8[%mul3A_7, %dma_wait3A_23] : memref<10240x128xf32, #tpu.memory_space<hbm>> -> memref<640x128xf32, #tpu.memory_space<hbm>>
        tpu.wait_dma2 semaphore(%run_scoped3A_17 : memref<!tpu.dma_semaphore, #tpu.memory_space<semaphore_mem>>) src(%dma_wait3A_24 : memref<640x128xf32, #tpu.memory_space<hbm>>) dst(%dma_wait3A_22 : memref<640x128xf32, #tpu.memory_space<vmem_shared>>)
        tpu.yield
      }) : () -> ()
      %barrier3A = arith.constant 0 : index
      tpu.barrier barrier_id(%barrier3A)
      %mul3A_8 = arith.constant 20224 : i32
      %mul3A_9 = arith.muli %arg1, %mul3A_8 : i32
      "tpu.region"() ({
        %run_scoped3A_17 = tpu.sem_alloc : memref<!tpu.dma_semaphore, #tpu.memory_space<semaphore_mem>>
        %dma_start3A_18 = tpu.memref_slice %arg3[%mul3A_9] : memref<323584xi32, #tpu.memory_space<hbm>> -> memref<128xi32, #tpu.memory_space<hbm>>
        %dma_start3A_19 = tpu.memref_slice %arg3[%mul3A_9] : memref<323584xi32, #tpu.memory_space<hbm>> -> memref<128xi32, #tpu.memory_space<hbm>>
        tpu.enqueue_dma source(%dma_start3A_19 : memref<128xi32, #tpu.memory_space<hbm>>) target(%arg10 : memref<128xi32, #tpu.memory_space<vmem>>) target_semaphore(%run_scoped3A_17 : memref<!tpu.dma_semaphore, #tpu.memory_space<semaphore_mem>>)
        %dma_wait3A = tpu.memref_slice %arg3[%mul3A_9] : memref<323584xi32, #tpu.memory_space<hbm>> -> memref<128xi32, #tpu.memory_space<hbm>>
        %dma_wait3A_20 = tpu.memref_slice %arg3[%mul3A_9] : memref<323584xi32, #tpu.memory_space<hbm>> -> memref<128xi32, #tpu.memory_space<hbm>>
        tpu.wait_dma2 semaphore(%run_scoped3A_17 : memref<!tpu.dma_semaphore, #tpu.memory_space<semaphore_mem>>) src(%dma_wait3A_20 : memref<128xi32, #tpu.memory_space<hbm>>) dst(%arg10 : memref<128xi32, #tpu.memory_space<vmem>>)
        tpu.yield
      }) : () -> ()
      "tpu.region"() ({
        %run_scoped3A_17 = tpu.sem_alloc : memref<!tpu.dma_semaphore, #tpu.memory_space<semaphore_mem>>
        %dma_start3A_18 = tpu.memref_slice %arg4[%mul3A_9] : memref<323584xi32, #tpu.memory_space<hbm>> -> memref<128xi32, #tpu.memory_space<hbm>>
        %dma_start3A_19 = tpu.memref_slice %arg4[%mul3A_9] : memref<323584xi32, #tpu.memory_space<hbm>> -> memref<128xi32, #tpu.memory_space<hbm>>
        tpu.enqueue_dma source(%dma_start3A_19 : memref<128xi32, #tpu.memory_space<hbm>>) target(%arg11 : memref<128xi32, #tpu.memory_space<vmem>>) target_semaphore(%run_scoped3A_17 : memref<!tpu.dma_semaphore, #tpu.memory_space<semaphore_mem>>)
        %dma_wait3A = tpu.memref_slice %arg4[%mul3A_9] : memref<323584xi32, #tpu.memory_space<hbm>> -> memref<128xi32, #tpu.memory_space<hbm>>
        %dma_wait3A_20 = tpu.memref_slice %arg4[%mul3A_9] : memref<323584xi32, #tpu.memory_space<hbm>> -> memref<128xi32, #tpu.memory_space<hbm>>
        tpu.wait_dma2 semaphore(%run_scoped3A_17 : memref<!tpu.dma_semaphore, #tpu.memory_space<semaphore_mem>>) src(%dma_wait3A_20 : memref<128xi32, #tpu.memory_space<hbm>>) dst(%arg11 : memref<128xi32, #tpu.memory_space<vmem>>)
        tpu.yield
      }) : () -> ()
      %dma_start3A = arith.constant 0 : i32
      %dma_start3A_10 = arith.constant 0 : i32
      %dma_start3A_11 = tpu.memref_slice %arg2[%dma_start3A, %dma_start3A_10] : memref<10000x128xf32, #tpu.memory_space<hbm>> -> memref<10000x128xf32, #tpu.memory_space<hbm>>
      tpu.enqueue_indirect_dma source(%dma_start3A_11 : memref<10000x128xf32, #tpu.memory_space<hbm>>) target(%arg12 : memref<128x128xf32, #tpu.memory_space<vmem>>) offsets(%arg10 : memref<128xi32, #tpu.memory_space<vmem>>) semaphore(%arg17 : memref<!tpu.dma_semaphore, #tpu.memory_space<semaphore_mem>>)
      %scan3A = arith.constant 0 : i32
      %scan3A_12 = arith.constant 79 : i32
      %scan3A_13 = arith.addi %scan3A, %scan3A_12 : i32
      %scan3A_14 = arith.constant 1 : i32
      scf.for %scan3A_17 = %scan3A to %scan3A_13 step %scan3A_14  : i32 {
        %mul3A_18 = arith.constant 1 : i32
        %mul3A_19 = arith.muli %scan3A_17, %mul3A_18 : i32
        %add3A = arith.constant 0 : i32
        %add3A_20 = arith.addi %add3A, %mul3A_19 : i32
        %mul3A_21 = arith.constant 2 : i32
        %mul3A_22 = arith.muli %mul3A_21, %add3A_20 : i32
        %add3A_23 = arith.constant 1 : i32
        %add3A_24 = arith.addi %mul3A_22, %add3A_23 : i32
        %mul3A_25 = arith.constant 128 : i32
        %mul3A_26 = arith.muli %add3A_24, %mul3A_25 : i32
        %add3A_27 = arith.addi %mul3A_9, %mul3A_26 : i32
        "tpu.region"() ({
          %run_scoped3A_40 = tpu.sem_alloc : memref<!tpu.dma_semaphore, #tpu.memory_space<semaphore_mem>>
          %dma_start3A_41 = tpu.memref_slice %arg3[%add3A_27] : memref<323584xi32, #tpu.memory_space<hbm>> -> memref<128xi32, #tpu.memory_space<hbm>>
          %dma_start3A_42 = tpu.memref_slice %arg3[%add3A_27] : memref<323584xi32, #tpu.memory_space<hbm>> -> memref<128xi32, #tpu.memory_space<hbm>>
          tpu.enqueue_dma source(%dma_start3A_42 : memref<128xi32, #tpu.memory_space<hbm>>) target(%arg13 : memref<128xi32, #tpu.memory_space<vmem>>) target_semaphore(%run_scoped3A_40 : memref<!tpu.dma_semaphore, #tpu.memory_space<semaphore_mem>>)
          %dma_wait3A_43 = tpu.memref_slice %arg3[%add3A_27] : memref<323584xi32, #tpu.memory_space<hbm>> -> memref<128xi32, #tpu.memory_space<hbm>>
          %dma_wait3A_44 = tpu.memref_slice %arg3[%add3A_27] : memref<323584xi32, #tpu.memory_space<hbm>> -> memref<128xi32, #tpu.memory_space<hbm>>
          tpu.wait_dma2 semaphore(%run_scoped3A_40 : memref<!tpu.dma_semaphore, #tpu.memory_space<semaphore_mem>>) src(%dma_wait3A_44 : memref<128xi32, #tpu.memory_space<hbm>>) dst(%arg13 : memref<128xi32, #tpu.memory_space<vmem>>)
          tpu.yield
        }) : () -> ()
        "tpu.region"() ({
          %run_scoped3A_40 = tpu.sem_alloc : memref<!tpu.dma_semaphore, #tpu.memory_space<semaphore_mem>>
          %dma_start3A_41 = tpu.memref_slice %arg4[%add3A_27] : memref<323584xi32, #tpu.memory_space<hbm>> -> memref<128xi32, #tpu.memory_space<hbm>>
          %dma_start3A_42 = tpu.memref_slice %arg4[%add3A_27] : memref<323584xi32, #tpu.memory_space<hbm>> -> memref<128xi32, #tpu.memory_space<hbm>>
          tpu.enqueue_dma source(%dma_start3A_42 : memref<128xi32, #tpu.memory_space<hbm>>) target(%arg14 : memref<128xi32, #tpu.memory_space<vmem>>) target_semaphore(%run_scoped3A_40 : memref<!tpu.dma_semaphore, #tpu.memory_space<semaphore_mem>>)
          %dma_wait3A_43 = tpu.memref_slice %arg4[%add3A_27] : memref<323584xi32, #tpu.memory_space<hbm>> -> memref<128xi32, #tpu.memory_space<hbm>>
          %dma_wait3A_44 = tpu.memref_slice %arg4[%add3A_27] : memref<323584xi32, #tpu.memory_space<hbm>> -> memref<128xi32, #tpu.memory_space<hbm>>
          tpu.wait_dma2 semaphore(%run_scoped3A_40 : memref<!tpu.dma_semaphore, #tpu.memory_space<semaphore_mem>>) src(%dma_wait3A_44 : memref<128xi32, #tpu.memory_space<hbm>>) dst(%arg14 : memref<128xi32, #tpu.memory_space<vmem>>)
          tpu.yield
        }) : () -> ()
        %dma_start3A_28 = arith.constant 0 : i32
        %dma_start3A_29 = arith.constant 0 : i32
        %dma_start3A_30 = tpu.memref_slice %arg2[%dma_start3A_28, %dma_start3A_29] : memref<10000x128xf32, #tpu.memory_space<hbm>> -> memref<10000x128xf32, #tpu.memory_space<hbm>>
        tpu.enqueue_indirect_dma source(%dma_start3A_30 : memref<10000x128xf32, #tpu.memory_space<hbm>>) target(%arg15 : memref<128x128xf32, #tpu.memory_space<vmem>>) offsets(%arg13 : memref<128xi32, #tpu.memory_space<vmem>>) semaphore(%arg18 : memref<!tpu.dma_semaphore, #tpu.memory_space<semaphore_mem>>)
        %dma_wait3A = arith.constant 0 : i32
        %dma_wait3A_31 = arith.constant 0 : i32
        %dma_wait3A_32 = tpu.memref_slice %arg2[%dma_wait3A, %dma_wait3A_31] : memref<10000x128xf32, #tpu.memory_space<hbm>> -> memref<10000x128xf32, #tpu.memory_space<hbm>>
        tpu.wait_indirect_dma semaphore(%arg17 : memref<!tpu.dma_semaphore, #tpu.memory_space<semaphore_mem>>) src(%dma_wait3A_32 : memref<10000x128xf32, #tpu.memory_space<hbm>>) dst(%arg12 : memref<128x128xf32, #tpu.memory_space<vmem>>)
        "tpu.region"() ({
          %run_scoped3A_40 = tpu.sem_alloc : memref<!tpu.dma_semaphore, #tpu.memory_space<semaphore_mem>>
          %dma_start3A_41 = arith.constant 0 : i32
          %dma_start3A_42 = arith.constant 0 : i32
          %dma_start3A_43 = tpu.memref_slice %arg16[%dma_start3A_41, %dma_start3A_42] : memref<10240x128xf32, #tpu.memory_space<vmem_shared>> -> memref<10240x128xf32, #tpu.memory_space<vmem_shared>>
          tpu.enqueue_indirect_dma source(%arg12 : memref<128x128xf32, #tpu.memory_space<vmem>>) target(%dma_start3A_43 : memref<10240x128xf32, #tpu.memory_space<vmem_shared>>) offsets(%arg11 : memref<128xi32, #tpu.memory_space<vmem>>) semaphore(%run_scoped3A_40 : memref<!tpu.dma_semaphore, #tpu.memory_space<semaphore_mem>>) {add = true}
          %dma_wait3A_44 = arith.constant 0 : i32
          %dma_wait3A_45 = arith.constant 0 : i32
          %dma_wait3A_46 = tpu.memref_slice %arg16[%dma_wait3A_44, %dma_wait3A_45] : memref<10240x128xf32, #tpu.memory_space<vmem_shared>> -> memref<10240x128xf32, #tpu.memory_space<vmem_shared>>
          tpu.wait_indirect_dma semaphore(%run_scoped3A_40 : memref<!tpu.dma_semaphore, #tpu.memory_space<semaphore_mem>>) src(%arg12 : memref<128x128xf32, #tpu.memory_space<vmem>>) dst(%dma_wait3A_46 : memref<10240x128xf32, #tpu.memory_space<vmem_shared>>)
          tpu.yield
        }) : () -> ()
        %lt3A = arith.constant 78 : i32
        %lt3A_33 = arith.cmpi slt, %add3A_20, %lt3A : i32
        %convert_element_type3A_34 = arith.extui %lt3A_33 : i1 to i32
        %cond3A_35 = arith.constant 0 : i32
        %cond3A_36 = arith.cmpi ne, %convert_element_type3A_34, %cond3A_35 : i32
        scf.if %cond3A_36 {
          %mul3A_40 = arith.constant 2 : i32
          %mul3A_41 = arith.muli %mul3A_40, %add3A_20 : i32
          %add3A_42 = arith.constant 2 : i32
          %add3A_43 = arith.addi %mul3A_41, %add3A_42 : i32
          %mul3A_44 = arith.constant 128 : i32
          %mul3A_45 = arith.muli %add3A_43, %mul3A_44 : i32
          %add3A_46 = arith.addi %mul3A_9, %mul3A_45 : i32
          "tpu.region"() ({
            %run_scoped3A_50 = tpu.sem_alloc : memref<!tpu.dma_semaphore, #tpu.memory_space<semaphore_mem>>
            %dma_start3A_51 = tpu.memref_slice %arg3[%add3A_46] : memref<323584xi32, #tpu.memory_space<hbm>> -> memref<128xi32, #tpu.memory_space<hbm>>
            %dma_start3A_52 = tpu.memref_slice %arg3[%add3A_46] : memref<323584xi32, #tpu.memory_space<hbm>> -> memref<128xi32, #tpu.memory_space<hbm>>
            tpu.enqueue_dma source(%dma_start3A_52 : memref<128xi32, #tpu.memory_space<hbm>>) target(%arg10 : memref<128xi32, #tpu.memory_space<vmem>>) target_semaphore(%run_scoped3A_50 : memref<!tpu.dma_semaphore, #tpu.memory_space<semaphore_mem>>)
            %dma_wait3A_53 = tpu.memref_slice %arg3[%add3A_46] : memref<323584xi32, #tpu.memory_space<hbm>> -> memref<128xi32, #tpu.memory_space<hbm>>
            %dma_wait3A_54 = tpu.memref_slice %arg3[%add3A_46] : memref<323584xi32, #tpu.memory_space<hbm>> -> memref<128xi32, #tpu.memory_space<hbm>>
            tpu.wait_dma2 semaphore(%run_scoped3A_50 : memref<!tpu.dma_semaphore, #tpu.memory_space<semaphore_mem>>) src(%dma_wait3A_54 : memref<128xi32, #tpu.memory_space<hbm>>) dst(%arg10 : memref<128xi32, #tpu.memory_space<vmem>>)
            tpu.yield
          }) : () -> ()
          "tpu.region"() ({
            %run_scoped3A_50 = tpu.sem_alloc : memref<!tpu.dma_semaphore, #tpu.memory_space<semaphore_mem>>
            %dma_start3A_51 = tpu.memref_slice %arg4[%add3A_46] : memref<323584xi32, #tpu.memory_space<hbm>> -> memref<128xi32, #tpu.memory_space<hbm>>
            %dma_start3A_52 = tpu.memref_slice %arg4[%add3A_46] : memref<323584xi32, #tpu.memory_space<hbm>> -> memref<128xi32, #tpu.memory_space<hbm>>
            tpu.enqueue_dma source(%dma_start3A_52 : memref<128xi32, #tpu.memory_space<hbm>>) target(%arg11 : memref<128xi32, #tpu.memory_space<vmem>>) target_semaphore(%run_scoped3A_50 : memref<!tpu.dma_semaphore, #tpu.memory_space<semaphore_mem>>)
            %dma_wait3A_53 = tpu.memref_slice %arg4[%add3A_46] : memref<323584xi32, #tpu.memory_space<hbm>> -> memref<128xi32, #tpu.memory_space<hbm>>
            %dma_wait3A_54 = tpu.memref_slice %arg4[%add3A_46] : memref<323584xi32, #tpu.memory_space<hbm>> -> memref<128xi32, #tpu.memory_space<hbm>>
            tpu.wait_dma2 semaphore(%run_scoped3A_50 : memref<!tpu.dma_semaphore, #tpu.memory_space<semaphore_mem>>) src(%dma_wait3A_54 : memref<128xi32, #tpu.memory_space<hbm>>) dst(%arg11 : memref<128xi32, #tpu.memory_space<vmem>>)
            tpu.yield
          }) : () -> ()
          %dma_start3A_47 = arith.constant 0 : i32
          %dma_start3A_48 = arith.constant 0 : i32
          %dma_start3A_49 = tpu.memref_slice %arg2[%dma_start3A_47, %dma_start3A_48] : memref<10000x128xf32, #tpu.memory_space<hbm>> -> memref<10000x128xf32, #tpu.memory_space<hbm>>
          tpu.enqueue_indirect_dma source(%dma_start3A_49 : memref<10000x128xf32, #tpu.memory_space<hbm>>) target(%arg12 : memref<128x128xf32, #tpu.memory_space<vmem>>) offsets(%arg10 : memref<128xi32, #tpu.memory_space<vmem>>) semaphore(%arg17 : memref<!tpu.dma_semaphore, #tpu.memory_space<semaphore_mem>>)
        } else {
        }
        %dma_wait3A_37 = arith.constant 0 : i32
        %dma_wait3A_38 = arith.constant 0 : i32
        %dma_wait3A_39 = tpu.memref_slice %arg2[%dma_wait3A_37, %dma_wait3A_38] : memref<10000x128xf32, #tpu.memory_space<hbm>> -> memref<10000x128xf32, #tpu.memory_space<hbm>>
        tpu.wait_indirect_dma semaphore(%arg18 : memref<!tpu.dma_semaphore, #tpu.memory_space<semaphore_mem>>) src(%dma_wait3A_39 : memref<10000x128xf32, #tpu.memory_space<hbm>>) dst(%arg15 : memref<128x128xf32, #tpu.memory_space<vmem>>)
        "tpu.region"() ({
          %run_scoped3A_40 = tpu.sem_alloc : memref<!tpu.dma_semaphore, #tpu.memory_space<semaphore_mem>>
          %dma_start3A_41 = arith.constant 0 : i32
          %dma_start3A_42 = arith.constant 0 : i32
          %dma_start3A_43 = tpu.memref_slice %arg16[%dma_start3A_41, %dma_start3A_42] : memref<10240x128xf32, #tpu.memory_space<vmem_shared>> -> memref<10240x128xf32, #tpu.memory_space<vmem_shared>>
          tpu.enqueue_indirect_dma source(%arg15 : memref<128x128xf32, #tpu.memory_space<vmem>>) target(%dma_start3A_43 : memref<10240x128xf32, #tpu.memory_space<vmem_shared>>) offsets(%arg14 : memref<128xi32, #tpu.memory_space<vmem>>) semaphore(%run_scoped3A_40 : memref<!tpu.dma_semaphore, #tpu.memory_space<semaphore_mem>>) {add = true}
          %dma_wait3A_44 = arith.constant 0 : i32
          %dma_wait3A_45 = arith.constant 0 : i32
          %dma_wait3A_46 = tpu.memref_slice %arg16[%dma_wait3A_44, %dma_wait3A_45] : memref<10240x128xf32, #tpu.memory_space<vmem_shared>> -> memref<10240x128xf32, #tpu.memory_space<vmem_shared>>
          tpu.wait_indirect_dma semaphore(%run_scoped3A_40 : memref<!tpu.dma_semaphore, #tpu.memory_space<semaphore_mem>>) src(%arg15 : memref<128x128xf32, #tpu.memory_space<vmem>>) dst(%dma_wait3A_46 : memref<10240x128xf32, #tpu.memory_space<vmem_shared>>)
          tpu.yield
        }) : () -> ()
      }
      %scan3A_15 = arith.constant 79 : i32
      %barrier3A_16 = arith.constant 0 : index
      tpu.barrier barrier_id(%barrier3A_16)
      %run_scoped3A = arith.constant 0 : i32
      "tpu.region"() ({
        %run_scoped3A_17 = tpu.sem_alloc : memref<!tpu.dma_semaphore, #tpu.memory_space<semaphore_mem>>
        %dma_start3A_18 = arith.constant 0 : i32
        %dma_start3A_19 = arith.constant 0 : i32
        %dma_start3A_20 = tpu.memref_slice %arg9[%run_scoped3A, %dma_start3A_18, %dma_start3A_19] : memref<2x10240x128xf32, #tpu.memory_space<hbm>> -> memref<1x10240x128xf32, #tpu.memory_space<hbm>>
        %dma_start3A_21 = tpu.memref_squeeze %dma_start3A_20 : memref<1x10240x128xf32, #tpu.memory_space<hbm>> -> memref<10240x128xf32, #tpu.memory_space<hbm>>
        %dma_start3A_22 = arith.constant 0 : i32
        %dma_start3A_23 = tpu.memref_slice %dma_start3A_21[%mul3A_7, %dma_start3A_22] : memref<10240x128xf32, #tpu.memory_space<hbm>> -> memref<640x128xf32, #tpu.memory_space<hbm>>
        %dma_start3A_24 = arith.constant 0 : i32
        %dma_start3A_25 = tpu.memref_slice %arg16[%mul3A_7, %dma_start3A_24] : memref<10240x128xf32, #tpu.memory_space<vmem_shared>> -> memref<640x128xf32, #tpu.memory_space<vmem_shared>>
        tpu.enqueue_dma source(%dma_start3A_25 : memref<640x128xf32, #tpu.memory_space<vmem_shared>>) target(%dma_start3A_23 : memref<640x128xf32, #tpu.memory_space<hbm>>) target_semaphore(%run_scoped3A_17 : memref<!tpu.dma_semaphore, #tpu.memory_space<semaphore_mem>>)
        %dma_wait3A = arith.constant 0 : i32
        %dma_wait3A_26 = arith.constant 0 : i32
        %dma_wait3A_27 = tpu.memref_slice %arg9[%run_scoped3A, %dma_wait3A, %dma_wait3A_26] : memref<2x10240x128xf32, #tpu.memory_space<hbm>> -> memref<1x10240x128xf32, #tpu.memory_space<hbm>>
        %dma_wait3A_28 = tpu.memref_squeeze %dma_wait3A_27 : memref<1x10240x128xf32, #tpu.memory_space<hbm>> -> memref<10240x128xf32, #tpu.memory_space<hbm>>
        %dma_wait3A_29 = arith.constant 0 : i32
        %dma_wait3A_30 = tpu.memref_slice %dma_wait3A_28[%mul3A_7, %dma_wait3A_29] : memref<10240x128xf32, #tpu.memory_space<hbm>> -> memref<640x128xf32, #tpu.memory_space<hbm>>
        %dma_wait3A_31 = arith.constant 0 : i32
        %dma_wait3A_32 = tpu.memref_slice %arg16[%mul3A_7, %dma_wait3A_31] : memref<10240x128xf32, #tpu.memory_space<vmem_shared>> -> memref<640x128xf32, #tpu.memory_space<vmem_shared>>
        tpu.wait_dma2 semaphore(%run_scoped3A_17 : memref<!tpu.dma_semaphore, #tpu.memory_space<semaphore_mem>>) src(%dma_wait3A_32 : memref<640x128xf32, #tpu.memory_space<vmem_shared>>) dst(%dma_wait3A_30 : memref<640x128xf32, #tpu.memory_space<hbm>>)
        tpu.yield
      }) : () -> ()
    } else {
    }
    %eq3A_2 = arith.constant 1 : i32
    %eq3A_3 = arith.cmpi eq, %arg0, %eq3A_2 : i32
    %convert_element_type3A_4 = arith.extui %eq3A_3 : i1 to i32
    %cond3A_5 = arith.constant 0 : i32
    %cond3A_6 = arith.cmpi ne, %convert_element_type3A_4, %cond3A_5 : i32
    scf.if %cond3A_6 {
      %mul3A = arith.constant 640 : i32
      %mul3A_7 = arith.muli %arg1, %mul3A : i32
      "tpu.region"() ({
        %run_scoped3A_17 = tpu.sem_alloc : memref<!tpu.dma_semaphore, #tpu.memory_space<semaphore_mem>>
        %dma_start3A_18 = arith.constant 0 : i32
        %dma_start3A_19 = tpu.memref_slice %arg16[%mul3A_7, %dma_start3A_18] : memref<10240x128xf32, #tpu.memory_space<vmem_shared>> -> memref<640x128xf32, #tpu.memory_space<vmem_shared>>
        %dma_start3A_20 = arith.constant 0 : i32
        %dma_start3A_21 = tpu.memref_slice %arg8[%mul3A_7, %dma_start3A_20] : memref<10240x128xf32, #tpu.memory_space<hbm>> -> memref<640x128xf32, #tpu.memory_space<hbm>>
        tpu.enqueue_dma source(%dma_start3A_21 : memref<640x128xf32, #tpu.memory_space<hbm>>) target(%dma_start3A_19 : memref<640x128xf32, #tpu.memory_space<vmem_shared>>) target_semaphore(%run_scoped3A_17 : memref<!tpu.dma_semaphore, #tpu.memory_space<semaphore_mem>>)
        %dma_wait3A = arith.constant 0 : i32
        %dma_wait3A_22 = tpu.memref_slice %arg16[%mul3A_7, %dma_wait3A] : memref<10240x128xf32, #tpu.memory_space<vmem_shared>> -> memref<640x128xf32, #tpu.memory_space<vmem_shared>>
        %dma_wait3A_23 = arith.constant 0 : i32
        %dma_wait3A_24 = tpu.memref_slice %arg8[%mul3A_7, %dma_wait3A_23] : memref<10240x128xf32, #tpu.memory_space<hbm>> -> memref<640x128xf32, #tpu.memory_space<hbm>>
        tpu.wait_dma2 semaphore(%run_scoped3A_17 : memref<!tpu.dma_semaphore, #tpu.memory_space<semaphore_mem>>) src(%dma_wait3A_24 : memref<640x128xf32, #tpu.memory_space<hbm>>) dst(%dma_wait3A_22 : memref<640x128xf32, #tpu.memory_space<vmem_shared>>)
        tpu.yield
      }) : () -> ()
      %barrier3A = arith.constant 0 : index
      tpu.barrier barrier_id(%barrier3A)
      %mul3A_8 = arith.constant 20224 : i32
      %mul3A_9 = arith.muli %arg1, %mul3A_8 : i32
      "tpu.region"() ({
        %run_scoped3A_17 = tpu.sem_alloc : memref<!tpu.dma_semaphore, #tpu.memory_space<semaphore_mem>>
        %dma_start3A_18 = tpu.memref_slice %arg6[%mul3A_9] : memref<323584xi32, #tpu.memory_space<hbm>> -> memref<128xi32, #tpu.memory_space<hbm>>
        %dma_start3A_19 = tpu.memref_slice %arg6[%mul3A_9] : memref<323584xi32, #tpu.memory_space<hbm>> -> memref<128xi32, #tpu.memory_space<hbm>>
        tpu.enqueue_dma source(%dma_start3A_19 : memref<128xi32, #tpu.memory_space<hbm>>) target(%arg10 : memref<128xi32, #tpu.memory_space<vmem>>) target_semaphore(%run_scoped3A_17 : memref<!tpu.dma_semaphore, #tpu.memory_space<semaphore_mem>>)
        %dma_wait3A = tpu.memref_slice %arg6[%mul3A_9] : memref<323584xi32, #tpu.memory_space<hbm>> -> memref<128xi32, #tpu.memory_space<hbm>>
        %dma_wait3A_20 = tpu.memref_slice %arg6[%mul3A_9] : memref<323584xi32, #tpu.memory_space<hbm>> -> memref<128xi32, #tpu.memory_space<hbm>>
        tpu.wait_dma2 semaphore(%run_scoped3A_17 : memref<!tpu.dma_semaphore, #tpu.memory_space<semaphore_mem>>) src(%dma_wait3A_20 : memref<128xi32, #tpu.memory_space<hbm>>) dst(%arg10 : memref<128xi32, #tpu.memory_space<vmem>>)
        tpu.yield
      }) : () -> ()
      "tpu.region"() ({
        %run_scoped3A_17 = tpu.sem_alloc : memref<!tpu.dma_semaphore, #tpu.memory_space<semaphore_mem>>
        %dma_start3A_18 = tpu.memref_slice %arg7[%mul3A_9] : memref<323584xi32, #tpu.memory_space<hbm>> -> memref<128xi32, #tpu.memory_space<hbm>>
        %dma_start3A_19 = tpu.memref_slice %arg7[%mul3A_9] : memref<323584xi32, #tpu.memory_space<hbm>> -> memref<128xi32, #tpu.memory_space<hbm>>
        tpu.enqueue_dma source(%dma_start3A_19 : memref<128xi32, #tpu.memory_space<hbm>>) target(%arg11 : memref<128xi32, #tpu.memory_space<vmem>>) target_semaphore(%run_scoped3A_17 : memref<!tpu.dma_semaphore, #tpu.memory_space<semaphore_mem>>)
        %dma_wait3A = tpu.memref_slice %arg7[%mul3A_9] : memref<323584xi32, #tpu.memory_space<hbm>> -> memref<128xi32, #tpu.memory_space<hbm>>
        %dma_wait3A_20 = tpu.memref_slice %arg7[%mul3A_9] : memref<323584xi32, #tpu.memory_space<hbm>> -> memref<128xi32, #tpu.memory_space<hbm>>
        tpu.wait_dma2 semaphore(%run_scoped3A_17 : memref<!tpu.dma_semaphore, #tpu.memory_space<semaphore_mem>>) src(%dma_wait3A_20 : memref<128xi32, #tpu.memory_space<hbm>>) dst(%arg11 : memref<128xi32, #tpu.memory_space<vmem>>)
        tpu.yield
      }) : () -> ()
      %dma_start3A = arith.constant 0 : i32
      %dma_start3A_10 = arith.constant 0 : i32
      %dma_start3A_11 = tpu.memref_slice %arg5[%dma_start3A, %dma_start3A_10] : memref<10000x128xf32, #tpu.memory_space<hbm>> -> memref<10000x128xf32, #tpu.memory_space<hbm>>
      tpu.enqueue_indirect_dma source(%dma_start3A_11 : memref<10000x128xf32, #tpu.memory_space<hbm>>) target(%arg12 : memref<128x128xf32, #tpu.memory_space<vmem>>) offsets(%arg10 : memref<128xi32, #tpu.memory_space<vmem>>) semaphore(%arg17 : memref<!tpu.dma_semaphore, #tpu.memory_space<semaphore_mem>>)
      %scan3A = arith.constant 0 : i32
      %scan3A_12 = arith.constant 79 : i32
      %scan3A_13 = arith.addi %scan3A, %scan3A_12 : i32
      %scan3A_14 = arith.constant 1 : i32
      scf.for %scan3A_17 = %scan3A to %scan3A_13 step %scan3A_14  : i32 {
        %mul3A_18 = arith.constant 1 : i32
        %mul3A_19 = arith.muli %scan3A_17, %mul3A_18 : i32
        %add3A = arith.constant 0 : i32
        %add3A_20 = arith.addi %add3A, %mul3A_19 : i32
        %mul3A_21 = arith.constant 2 : i32
        %mul3A_22 = arith.muli %mul3A_21, %add3A_20 : i32
        %add3A_23 = arith.constant 1 : i32
        %add3A_24 = arith.addi %mul3A_22, %add3A_23 : i32
        %mul3A_25 = arith.constant 128 : i32
        %mul3A_26 = arith.muli %add3A_24, %mul3A_25 : i32
        %add3A_27 = arith.addi %mul3A_9, %mul3A_26 : i32
        "tpu.region"() ({
          %run_scoped3A_40 = tpu.sem_alloc : memref<!tpu.dma_semaphore, #tpu.memory_space<semaphore_mem>>
          %dma_start3A_41 = tpu.memref_slice %arg6[%add3A_27] : memref<323584xi32, #tpu.memory_space<hbm>> -> memref<128xi32, #tpu.memory_space<hbm>>
          %dma_start3A_42 = tpu.memref_slice %arg6[%add3A_27] : memref<323584xi32, #tpu.memory_space<hbm>> -> memref<128xi32, #tpu.memory_space<hbm>>
          tpu.enqueue_dma source(%dma_start3A_42 : memref<128xi32, #tpu.memory_space<hbm>>) target(%arg13 : memref<128xi32, #tpu.memory_space<vmem>>) target_semaphore(%run_scoped3A_40 : memref<!tpu.dma_semaphore, #tpu.memory_space<semaphore_mem>>)
          %dma_wait3A_43 = tpu.memref_slice %arg6[%add3A_27] : memref<323584xi32, #tpu.memory_space<hbm>> -> memref<128xi32, #tpu.memory_space<hbm>>
          %dma_wait3A_44 = tpu.memref_slice %arg6[%add3A_27] : memref<323584xi32, #tpu.memory_space<hbm>> -> memref<128xi32, #tpu.memory_space<hbm>>
          tpu.wait_dma2 semaphore(%run_scoped3A_40 : memref<!tpu.dma_semaphore, #tpu.memory_space<semaphore_mem>>) src(%dma_wait3A_44 : memref<128xi32, #tpu.memory_space<hbm>>) dst(%arg13 : memref<128xi32, #tpu.memory_space<vmem>>)
          tpu.yield
        }) : () -> ()
        "tpu.region"() ({
          %run_scoped3A_40 = tpu.sem_alloc : memref<!tpu.dma_semaphore, #tpu.memory_space<semaphore_mem>>
          %dma_start3A_41 = tpu.memref_slice %arg7[%add3A_27] : memref<323584xi32, #tpu.memory_space<hbm>> -> memref<128xi32, #tpu.memory_space<hbm>>
          %dma_start3A_42 = tpu.memref_slice %arg7[%add3A_27] : memref<323584xi32, #tpu.memory_space<hbm>> -> memref<128xi32, #tpu.memory_space<hbm>>
          tpu.enqueue_dma source(%dma_start3A_42 : memref<128xi32, #tpu.memory_space<hbm>>) target(%arg14 : memref<128xi32, #tpu.memory_space<vmem>>) target_semaphore(%run_scoped3A_40 : memref<!tpu.dma_semaphore, #tpu.memory_space<semaphore_mem>>)
          %dma_wait3A_43 = tpu.memref_slice %arg7[%add3A_27] : memref<323584xi32, #tpu.memory_space<hbm>> -> memref<128xi32, #tpu.memory_space<hbm>>
          %dma_wait3A_44 = tpu.memref_slice %arg7[%add3A_27] : memref<323584xi32, #tpu.memory_space<hbm>> -> memref<128xi32, #tpu.memory_space<hbm>>
          tpu.wait_dma2 semaphore(%run_scoped3A_40 : memref<!tpu.dma_semaphore, #tpu.memory_space<semaphore_mem>>) src(%dma_wait3A_44 : memref<128xi32, #tpu.memory_space<hbm>>) dst(%arg14 : memref<128xi32, #tpu.memory_space<vmem>>)
          tpu.yield
        }) : () -> ()
        %dma_start3A_28 = arith.constant 0 : i32
        %dma_start3A_29 = arith.constant 0 : i32
        %dma_start3A_30 = tpu.memref_slice %arg5[%dma_start3A_28, %dma_start3A_29] : memref<10000x128xf32, #tpu.memory_space<hbm>> -> memref<10000x128xf32, #tpu.memory_space<hbm>>
        tpu.enqueue_indirect_dma source(%dma_start3A_30 : memref<10000x128xf32, #tpu.memory_space<hbm>>) target(%arg15 : memref<128x128xf32, #tpu.memory_space<vmem>>) offsets(%arg13 : memref<128xi32, #tpu.memory_space<vmem>>) semaphore(%arg18 : memref<!tpu.dma_semaphore, #tpu.memory_space<semaphore_mem>>)
        %dma_wait3A = arith.constant 0 : i32
        %dma_wait3A_31 = arith.constant 0 : i32
        %dma_wait3A_32 = tpu.memref_slice %arg5[%dma_wait3A, %dma_wait3A_31] : memref<10000x128xf32, #tpu.memory_space<hbm>> -> memref<10000x128xf32, #tpu.memory_space<hbm>>
        tpu.wait_indirect_dma semaphore(%arg17 : memref<!tpu.dma_semaphore, #tpu.memory_space<semaphore_mem>>) src(%dma_wait3A_32 : memref<10000x128xf32, #tpu.memory_space<hbm>>) dst(%arg12 : memref<128x128xf32, #tpu.memory_space<vmem>>)
        "tpu.region"() ({
          %run_scoped3A_40 = tpu.sem_alloc : memref<!tpu.dma_semaphore, #tpu.memory_space<semaphore_mem>>
          %dma_start3A_41 = arith.constant 0 : i32
          %dma_start3A_42 = arith.constant 0 : i32
          %dma_start3A_43 = tpu.memref_slice %arg16[%dma_start3A_41, %dma_start3A_42] : memref<10240x128xf32, #tpu.memory_space<vmem_shared>> -> memref<10240x128xf32, #tpu.memory_space<vmem_shared>>
          tpu.enqueue_indirect_dma source(%arg12 : memref<128x128xf32, #tpu.memory_space<vmem>>) target(%dma_start3A_43 : memref<10240x128xf32, #tpu.memory_space<vmem_shared>>) offsets(%arg11 : memref<128xi32, #tpu.memory_space<vmem>>) semaphore(%run_scoped3A_40 : memref<!tpu.dma_semaphore, #tpu.memory_space<semaphore_mem>>) {add = true}
          %dma_wait3A_44 = arith.constant 0 : i32
          %dma_wait3A_45 = arith.constant 0 : i32
          %dma_wait3A_46 = tpu.memref_slice %arg16[%dma_wait3A_44, %dma_wait3A_45] : memref<10240x128xf32, #tpu.memory_space<vmem_shared>> -> memref<10240x128xf32, #tpu.memory_space<vmem_shared>>
          tpu.wait_indirect_dma semaphore(%run_scoped3A_40 : memref<!tpu.dma_semaphore, #tpu.memory_space<semaphore_mem>>) src(%arg12 : memref<128x128xf32, #tpu.memory_space<vmem>>) dst(%dma_wait3A_46 : memref<10240x128xf32, #tpu.memory_space<vmem_shared>>)
          tpu.yield
        }) : () -> ()
        %lt3A = arith.constant 78 : i32
        %lt3A_33 = arith.cmpi slt, %add3A_20, %lt3A : i32
        %convert_element_type3A_34 = arith.extui %lt3A_33 : i1 to i32
        %cond3A_35 = arith.constant 0 : i32
        %cond3A_36 = arith.cmpi ne, %convert_element_type3A_34, %cond3A_35 : i32
        scf.if %cond3A_36 {
          %mul3A_40 = arith.constant 2 : i32
          %mul3A_41 = arith.muli %mul3A_40, %add3A_20 : i32
          %add3A_42 = arith.constant 2 : i32
          %add3A_43 = arith.addi %mul3A_41, %add3A_42 : i32
          %mul3A_44 = arith.constant 128 : i32
          %mul3A_45 = arith.muli %add3A_43, %mul3A_44 : i32
          %add3A_46 = arith.addi %mul3A_9, %mul3A_45 : i32
          "tpu.region"() ({
            %run_scoped3A_50 = tpu.sem_alloc : memref<!tpu.dma_semaphore, #tpu.memory_space<semaphore_mem>>
            %dma_start3A_51 = tpu.memref_slice %arg6[%add3A_46] : memref<323584xi32, #tpu.memory_space<hbm>> -> memref<128xi32, #tpu.memory_space<hbm>>
            %dma_start3A_52 = tpu.memref_slice %arg6[%add3A_46] : memref<323584xi32, #tpu.memory_space<hbm>> -> memref<128xi32, #tpu.memory_space<hbm>>
            tpu.enqueue_dma source(%dma_start3A_52 : memref<128xi32, #tpu.memory_space<hbm>>) target(%arg10 : memref<128xi32, #tpu.memory_space<vmem>>) target_semaphore(%run_scoped3A_50 : memref<!tpu.dma_semaphore, #tpu.memory_space<semaphore_mem>>)
            %dma_wait3A_53 = tpu.memref_slice %arg6[%add3A_46] : memref<323584xi32, #tpu.memory_space<hbm>> -> memref<128xi32, #tpu.memory_space<hbm>>
            %dma_wait3A_54 = tpu.memref_slice %arg6[%add3A_46] : memref<323584xi32, #tpu.memory_space<hbm>> -> memref<128xi32, #tpu.memory_space<hbm>>
            tpu.wait_dma2 semaphore(%run_scoped3A_50 : memref<!tpu.dma_semaphore, #tpu.memory_space<semaphore_mem>>) src(%dma_wait3A_54 : memref<128xi32, #tpu.memory_space<hbm>>) dst(%arg10 : memref<128xi32, #tpu.memory_space<vmem>>)
            tpu.yield
          }) : () -> ()
          "tpu.region"() ({
            %run_scoped3A_50 = tpu.sem_alloc : memref<!tpu.dma_semaphore, #tpu.memory_space<semaphore_mem>>
            %dma_start3A_51 = tpu.memref_slice %arg7[%add3A_46] : memref<323584xi32, #tpu.memory_space<hbm>> -> memref<128xi32, #tpu.memory_space<hbm>>
            %dma_start3A_52 = tpu.memref_slice %arg7[%add3A_46] : memref<323584xi32, #tpu.memory_space<hbm>> -> memref<128xi32, #tpu.memory_space<hbm>>
            tpu.enqueue_dma source(%dma_start3A_52 : memref<128xi32, #tpu.memory_space<hbm>>) target(%arg11 : memref<128xi32, #tpu.memory_space<vmem>>) target_semaphore(%run_scoped3A_50 : memref<!tpu.dma_semaphore, #tpu.memory_space<semaphore_mem>>)
            %dma_wait3A_53 = tpu.memref_slice %arg7[%add3A_46] : memref<323584xi32, #tpu.memory_space<hbm>> -> memref<128xi32, #tpu.memory_space<hbm>>
            %dma_wait3A_54 = tpu.memref_slice %arg7[%add3A_46] : memref<323584xi32, #tpu.memory_space<hbm>> -> memref<128xi32, #tpu.memory_space<hbm>>
            tpu.wait_dma2 semaphore(%run_scoped3A_50 : memref<!tpu.dma_semaphore, #tpu.memory_space<semaphore_mem>>) src(%dma_wait3A_54 : memref<128xi32, #tpu.memory_space<hbm>>) dst(%arg11 : memref<128xi32, #tpu.memory_space<vmem>>)
            tpu.yield
          }) : () -> ()
          %dma_start3A_47 = arith.constant 0 : i32
          %dma_start3A_48 = arith.constant 0 : i32
          %dma_start3A_49 = tpu.memref_slice %arg5[%dma_start3A_47, %dma_start3A_48] : memref<10000x128xf32, #tpu.memory_space<hbm>> -> memref<10000x128xf32, #tpu.memory_space<hbm>>
          tpu.enqueue_indirect_dma source(%dma_start3A_49 : memref<10000x128xf32, #tpu.memory_space<hbm>>) target(%arg12 : memref<128x128xf32, #tpu.memory_space<vmem>>) offsets(%arg10 : memref<128xi32, #tpu.memory_space<vmem>>) semaphore(%arg17 : memref<!tpu.dma_semaphore, #tpu.memory_space<semaphore_mem>>)
        } else {
        }
        %dma_wait3A_37 = arith.constant 0 : i32
        %dma_wait3A_38 = arith.constant 0 : i32
        %dma_wait3A_39 = tpu.memref_slice %arg5[%dma_wait3A_37, %dma_wait3A_38] : memref<10000x128xf32, #tpu.memory_space<hbm>> -> memref<10000x128xf32, #tpu.memory_space<hbm>>
        tpu.wait_indirect_dma semaphore(%arg18 : memref<!tpu.dma_semaphore, #tpu.memory_space<semaphore_mem>>) src(%dma_wait3A_39 : memref<10000x128xf32, #tpu.memory_space<hbm>>) dst(%arg15 : memref<128x128xf32, #tpu.memory_space<vmem>>)
        "tpu.region"() ({
          %run_scoped3A_40 = tpu.sem_alloc : memref<!tpu.dma_semaphore, #tpu.memory_space<semaphore_mem>>
          %dma_start3A_41 = arith.constant 0 : i32
          %dma_start3A_42 = arith.constant 0 : i32
          %dma_start3A_43 = tpu.memref_slice %arg16[%dma_start3A_41, %dma_start3A_42] : memref<10240x128xf32, #tpu.memory_space<vmem_shared>> -> memref<10240x128xf32, #tpu.memory_space<vmem_shared>>
          tpu.enqueue_indirect_dma source(%arg15 : memref<128x128xf32, #tpu.memory_space<vmem>>) target(%dma_start3A_43 : memref<10240x128xf32, #tpu.memory_space<vmem_shared>>) offsets(%arg14 : memref<128xi32, #tpu.memory_space<vmem>>) semaphore(%run_scoped3A_40 : memref<!tpu.dma_semaphore, #tpu.memory_space<semaphore_mem>>) {add = true}
          %dma_wait3A_44 = arith.constant 0 : i32
          %dma_wait3A_45 = arith.constant 0 : i32
          %dma_wait3A_46 = tpu.memref_slice %arg16[%dma_wait3A_44, %dma_wait3A_45] : memref<10240x128xf32, #tpu.memory_space<vmem_shared>> -> memref<10240x128xf32, #tpu.memory_space<vmem_shared>>
          tpu.wait_indirect_dma semaphore(%run_scoped3A_40 : memref<!tpu.dma_semaphore, #tpu.memory_space<semaphore_mem>>) src(%arg15 : memref<128x128xf32, #tpu.memory_space<vmem>>) dst(%dma_wait3A_46 : memref<10240x128xf32, #tpu.memory_space<vmem_shared>>)
          tpu.yield
        }) : () -> ()
      }
      %scan3A_15 = arith.constant 79 : i32
      %barrier3A_16 = arith.constant 0 : index
      tpu.barrier barrier_id(%barrier3A_16)
      %run_scoped3A = arith.constant 1 : i32
      "tpu.region"() ({
        %run_scoped3A_17 = tpu.sem_alloc : memref<!tpu.dma_semaphore, #tpu.memory_space<semaphore_mem>>
        %dma_start3A_18 = arith.constant 0 : i32
        %dma_start3A_19 = arith.constant 0 : i32
        %dma_start3A_20 = tpu.memref_slice %arg9[%run_scoped3A, %dma_start3A_18, %dma_start3A_19] : memref<2x10240x128xf32, #tpu.memory_space<hbm>> -> memref<1x10240x128xf32, #tpu.memory_space<hbm>>
        %dma_start3A_21 = tpu.memref_squeeze %dma_start3A_20 : memref<1x10240x128xf32, #tpu.memory_space<hbm>> -> memref<10240x128xf32, #tpu.memory_space<hbm>>
        %dma_start3A_22 = arith.constant 0 : i32
        %dma_start3A_23 = tpu.memref_slice %dma_start3A_21[%mul3A_7, %dma_start3A_22] : memref<10240x128xf32, #tpu.memory_space<hbm>> -> memref<640x128xf32, #tpu.memory_space<hbm>>
        %dma_start3A_24 = arith.constant 0 : i32
        %dma_start3A_25 = tpu.memref_slice %arg16[%mul3A_7, %dma_start3A_24] : memref<10240x128xf32, #tpu.memory_space<vmem_shared>> -> memref<640x128xf32, #tpu.memory_space<vmem_shared>>
        tpu.enqueue_dma source(%dma_start3A_25 : memref<640x128xf32, #tpu.memory_space<vmem_shared>>) target(%dma_start3A_23 : memref<640x128xf32, #tpu.memory_space<hbm>>) target_semaphore(%run_scoped3A_17 : memref<!tpu.dma_semaphore, #tpu.memory_space<semaphore_mem>>)
        %dma_wait3A = arith.constant 0 : i32
        %dma_wait3A_26 = arith.constant 0 : i32
        %dma_wait3A_27 = tpu.memref_slice %arg9[%run_scoped3A, %dma_wait3A, %dma_wait3A_26] : memref<2x10240x128xf32, #tpu.memory_space<hbm>> -> memref<1x10240x128xf32, #tpu.memory_space<hbm>>
        %dma_wait3A_28 = tpu.memref_squeeze %dma_wait3A_27 : memref<1x10240x128xf32, #tpu.memory_space<hbm>> -> memref<10240x128xf32, #tpu.memory_space<hbm>>
        %dma_wait3A_29 = arith.constant 0 : i32
        %dma_wait3A_30 = tpu.memref_slice %dma_wait3A_28[%mul3A_7, %dma_wait3A_29] : memref<10240x128xf32, #tpu.memory_space<hbm>> -> memref<640x128xf32, #tpu.memory_space<hbm>>
        %dma_wait3A_31 = arith.constant 0 : i32
        %dma_wait3A_32 = tpu.memref_slice %arg16[%mul3A_7, %dma_wait3A_31] : memref<10240x128xf32, #tpu.memory_space<vmem_shared>> -> memref<640x128xf32, #tpu.memory_space<vmem_shared>>
        tpu.wait_dma2 semaphore(%run_scoped3A_17 : memref<!tpu.dma_semaphore, #tpu.memory_space<semaphore_mem>>) src(%dma_wait3A_32 : memref<640x128xf32, #tpu.memory_space<vmem_shared>>) dst(%dma_wait3A_30 : memref<640x128xf32, #tpu.memory_space<hbm>>)
        tpu.yield
      }) : () -> ()
    } else {
    }
    return
  }
}

#map = affine_map<(d0, d1) -> (0, 0)>
#map1 = affine_map<(d0, d1) -> (0)>
#map2 = affine_map<(d0, d1) -> (0, 0, 0)>
module attributes {stable_mosaic.version = 14 : i64} {
  func.func @_sc_segsum2(%arg0: i32, %arg1: i32, %arg2: memref<10000x128xf32, #tpu.memory_space<hbm>>, %arg3: memref<323584xi32, #tpu.memory_space<hbm>>, %arg4: memref<323584xi32, #tpu.memory_space<hbm>>, %arg5: memref<10000x128xf32, #tpu.memory_space<hbm>>, %arg6: memref<323584xi32, #tpu.memory_space<hbm>>, %arg7: memref<323584xi32, #tpu.memory_space<hbm>>, %arg8: memref<10240x128xf32, #tpu.memory_space<hbm>>, %arg9: memref<2x10240x128xf32, #tpu.memory_space<hbm>>, %arg10: memref<128xi32, #tpu.memory_space<vmem>>, %arg11: memref<128xi32, #tpu.memory_space<vmem>>, %arg12: memref<128x128xf32, #tpu.memory_space<vmem>>, %arg13: memref<128xi32, #tpu.memory_space<vmem>>, %arg14: memref<128xi32, #tpu.memory_space<vmem>>, %arg15: memref<128x128xf32, #tpu.memory_space<vmem>>, %arg16: memref<10240x128xf32, #tpu.memory_space<vmem_shared>>, %arg17: memref<!tpu.dma_semaphore, #tpu.memory_space<semaphore_mem>>, %arg18: memref<!tpu.dma_semaphore, #tpu.memory_space<semaphore_mem>>) attributes {dimension_semantics = [#tpu.dimension_semantics<core_parallel>, #tpu.dimension_semantics<subcore_parallel>], iteration_bounds = array<i64: 2, 16>, scalar_prefetch = 0 : i64, scratch_operands = 9 : i64, tpu.core_type = #tpu.core_type<sc_vector_subcore>, window_params = [{transform_indices = #map}, {transform_indices = #map1}, {transform_indices = #map1}, {transform_indices = #map}, {transform_indices = #map1}, {transform_indices = #map1}, {transform_indices = #map}, {transform_indices = #map2}]} {
    %eq3A = arith.constant 0 : i32
    %eq3A_0 = arith.cmpi eq, %arg0, %eq3A : i32
    %convert_element_type3A = arith.extui %eq3A_0 : i1 to i32
    %cond3A = arith.constant 0 : i32
    %cond3A_1 = arith.cmpi ne, %convert_element_type3A, %cond3A : i32
    scf.if %cond3A_1 {
      %mul3A = arith.constant 640 : i32
      %mul3A_7 = arith.muli %arg1, %mul3A : i32
      "tpu.region"() ({
        %run_scoped3A_17 = tpu.sem_alloc : memref<!tpu.dma_semaphore, #tpu.memory_space<semaphore_mem>>
        %dma_start3A_18 = arith.constant 0 : i32
        %dma_start3A_19 = tpu.memref_slice %arg16[%mul3A_7, %dma_start3A_18] : memref<10240x128xf32, #tpu.memory_space<vmem_shared>> -> memref<640x128xf32, #tpu.memory_space<vmem_shared>>
        %dma_start3A_20 = arith.constant 0 : i32
        %dma_start3A_21 = tpu.memref_slice %arg8[%mul3A_7, %dma_start3A_20] : memref<10240x128xf32, #tpu.memory_space<hbm>> -> memref<640x128xf32, #tpu.memory_space<hbm>>
        tpu.enqueue_dma source(%dma_start3A_21 : memref<640x128xf32, #tpu.memory_space<hbm>>) target(%dma_start3A_19 : memref<640x128xf32, #tpu.memory_space<vmem_shared>>) target_semaphore(%run_scoped3A_17 : memref<!tpu.dma_semaphore, #tpu.memory_space<semaphore_mem>>)
        %dma_wait3A = arith.constant 0 : i32
        %dma_wait3A_22 = tpu.memref_slice %arg16[%mul3A_7, %dma_wait3A] : memref<10240x128xf32, #tpu.memory_space<vmem_shared>> -> memref<640x128xf32, #tpu.memory_space<vmem_shared>>
        %dma_wait3A_23 = arith.constant 0 : i32
        %dma_wait3A_24 = tpu.memref_slice %arg8[%mul3A_7, %dma_wait3A_23] : memref<10240x128xf32, #tpu.memory_space<hbm>> -> memref<640x128xf32, #tpu.memory_space<hbm>>
        tpu.wait_dma2 semaphore(%run_scoped3A_17 : memref<!tpu.dma_semaphore, #tpu.memory_space<semaphore_mem>>) src(%dma_wait3A_24 : memref<640x128xf32, #tpu.memory_space<hbm>>) dst(%dma_wait3A_22 : memref<640x128xf32, #tpu.memory_space<vmem_shared>>)
        tpu.yield
      }) : () -> ()
      %barrier3A = arith.constant 0 : index
      tpu.barrier barrier_id(%barrier3A)
      %mul3A_8 = arith.constant 20224 : i32
      %mul3A_9 = arith.muli %arg1, %mul3A_8 : i32
      "tpu.region"() ({
        %run_scoped3A_17 = tpu.sem_alloc : memref<!tpu.dma_semaphore, #tpu.memory_space<semaphore_mem>>
        %dma_start3A_18 = tpu.memref_slice %arg3[%mul3A_9] : memref<323584xi32, #tpu.memory_space<hbm>> -> memref<128xi32, #tpu.memory_space<hbm>>
        %dma_start3A_19 = tpu.memref_slice %arg3[%mul3A_9] : memref<323584xi32, #tpu.memory_space<hbm>> -> memref<128xi32, #tpu.memory_space<hbm>>
        tpu.enqueue_dma source(%dma_start3A_19 : memref<128xi32, #tpu.memory_space<hbm>>) target(%arg10 : memref<128xi32, #tpu.memory_space<vmem>>) target_semaphore(%run_scoped3A_17 : memref<!tpu.dma_semaphore, #tpu.memory_space<semaphore_mem>>)
        %dma_wait3A = tpu.memref_slice %arg3[%mul3A_9] : memref<323584xi32, #tpu.memory_space<hbm>> -> memref<128xi32, #tpu.memory_space<hbm>>
        %dma_wait3A_20 = tpu.memref_slice %arg3[%mul3A_9] : memref<323584xi32, #tpu.memory_space<hbm>> -> memref<128xi32, #tpu.memory_space<hbm>>
        tpu.wait_dma2 semaphore(%run_scoped3A_17 : memref<!tpu.dma_semaphore, #tpu.memory_space<semaphore_mem>>) src(%dma_wait3A_20 : memref<128xi32, #tpu.memory_space<hbm>>) dst(%arg10 : memref<128xi32, #tpu.memory_space<vmem>>)
        tpu.yield
      }) : () -> ()
      "tpu.region"() ({
        %run_scoped3A_17 = tpu.sem_alloc : memref<!tpu.dma_semaphore, #tpu.memory_space<semaphore_mem>>
        %dma_start3A_18 = tpu.memref_slice %arg4[%mul3A_9] : memref<323584xi32, #tpu.memory_space<hbm>> -> memref<128xi32, #tpu.memory_space<hbm>>
        %dma_start3A_19 = tpu.memref_slice %arg4[%mul3A_9] : memref<323584xi32, #tpu.memory_space<hbm>> -> memref<128xi32, #tpu.memory_space<hbm>>
        tpu.enqueue_dma source(%dma_start3A_19 : memref<128xi32, #tpu.memory_space<hbm>>) target(%arg11 : memref<128xi32, #tpu.memory_space<vmem>>) target_semaphore(%run_scoped3A_17 : memref<!tpu.dma_semaphore, #tpu.memory_space<semaphore_mem>>)
        %dma_wait3A = tpu.memref_slice %arg4[%mul3A_9] : memref<323584xi32, #tpu.memory_space<hbm>> -> memref<128xi32, #tpu.memory_space<hbm>>
        %dma_wait3A_20 = tpu.memref_slice %arg4[%mul3A_9] : memref<323584xi32, #tpu.memory_space<hbm>> -> memref<128xi32, #tpu.memory_space<hbm>>
        tpu.wait_dma2 semaphore(%run_scoped3A_17 : memref<!tpu.dma_semaphore, #tpu.memory_space<semaphore_mem>>) src(%dma_wait3A_20 : memref<128xi32, #tpu.memory_space<hbm>>) dst(%arg11 : memref<128xi32, #tpu.memory_space<vmem>>)
        tpu.yield
      }) : () -> ()
      %dma_start3A = arith.constant 0 : i32
      %dma_start3A_10 = arith.constant 0 : i32
      %dma_start3A_11 = tpu.memref_slice %arg2[%dma_start3A, %dma_start3A_10] : memref<10000x128xf32, #tpu.memory_space<hbm>> -> memref<10000x128xf32, #tpu.memory_space<hbm>>
      tpu.enqueue_indirect_dma source(%dma_start3A_11 : memref<10000x128xf32, #tpu.memory_space<hbm>>) target(%arg12 : memref<128x128xf32, #tpu.memory_space<vmem>>) offsets(%arg10 : memref<128xi32, #tpu.memory_space<vmem>>) semaphore(%arg17 : memref<!tpu.dma_semaphore, #tpu.memory_space<semaphore_mem>>)
      %scan3A = arith.constant 0 : i32
      %scan3A_12 = arith.constant 79 : i32
      %scan3A_13 = arith.addi %scan3A, %scan3A_12 : i32
      %scan3A_14 = arith.constant 1 : i32
      scf.for %scan3A_17 = %scan3A to %scan3A_13 step %scan3A_14  : i32 {
        %mul3A_18 = arith.constant 1 : i32
        %mul3A_19 = arith.muli %scan3A_17, %mul3A_18 : i32
        %add3A = arith.constant 0 : i32
        %add3A_20 = arith.addi %add3A, %mul3A_19 : i32
        %mul3A_21 = arith.constant 2 : i32
        %mul3A_22 = arith.muli %mul3A_21, %add3A_20 : i32
        %add3A_23 = arith.constant 1 : i32
        %add3A_24 = arith.addi %mul3A_22, %add3A_23 : i32
        %mul3A_25 = arith.constant 128 : i32
        %mul3A_26 = arith.muli %add3A_24, %mul3A_25 : i32
        %add3A_27 = arith.addi %mul3A_9, %mul3A_26 : i32
        "tpu.region"() ({
          %run_scoped3A_40 = tpu.sem_alloc : memref<!tpu.dma_semaphore, #tpu.memory_space<semaphore_mem>>
          %dma_start3A_41 = tpu.memref_slice %arg3[%add3A_27] : memref<323584xi32, #tpu.memory_space<hbm>> -> memref<128xi32, #tpu.memory_space<hbm>>
          %dma_start3A_42 = tpu.memref_slice %arg3[%add3A_27] : memref<323584xi32, #tpu.memory_space<hbm>> -> memref<128xi32, #tpu.memory_space<hbm>>
          tpu.enqueue_dma source(%dma_start3A_42 : memref<128xi32, #tpu.memory_space<hbm>>) target(%arg13 : memref<128xi32, #tpu.memory_space<vmem>>) target_semaphore(%run_scoped3A_40 : memref<!tpu.dma_semaphore, #tpu.memory_space<semaphore_mem>>)
          %dma_wait3A_43 = tpu.memref_slice %arg3[%add3A_27] : memref<323584xi32, #tpu.memory_space<hbm>> -> memref<128xi32, #tpu.memory_space<hbm>>
          %dma_wait3A_44 = tpu.memref_slice %arg3[%add3A_27] : memref<323584xi32, #tpu.memory_space<hbm>> -> memref<128xi32, #tpu.memory_space<hbm>>
          tpu.wait_dma2 semaphore(%run_scoped3A_40 : memref<!tpu.dma_semaphore, #tpu.memory_space<semaphore_mem>>) src(%dma_wait3A_44 : memref<128xi32, #tpu.memory_space<hbm>>) dst(%arg13 : memref<128xi32, #tpu.memory_space<vmem>>)
          tpu.yield
        }) : () -> ()
        "tpu.region"() ({
          %run_scoped3A_40 = tpu.sem_alloc : memref<!tpu.dma_semaphore, #tpu.memory_space<semaphore_mem>>
          %dma_start3A_41 = tpu.memref_slice %arg4[%add3A_27] : memref<323584xi32, #tpu.memory_space<hbm>> -> memref<128xi32, #tpu.memory_space<hbm>>
          %dma_start3A_42 = tpu.memref_slice %arg4[%add3A_27] : memref<323584xi32, #tpu.memory_space<hbm>> -> memref<128xi32, #tpu.memory_space<hbm>>
          tpu.enqueue_dma source(%dma_start3A_42 : memref<128xi32, #tpu.memory_space<hbm>>) target(%arg14 : memref<128xi32, #tpu.memory_space<vmem>>) target_semaphore(%run_scoped3A_40 : memref<!tpu.dma_semaphore, #tpu.memory_space<semaphore_mem>>)
          %dma_wait3A_43 = tpu.memref_slice %arg4[%add3A_27] : memref<323584xi32, #tpu.memory_space<hbm>> -> memref<128xi32, #tpu.memory_space<hbm>>
          %dma_wait3A_44 = tpu.memref_slice %arg4[%add3A_27] : memref<323584xi32, #tpu.memory_space<hbm>> -> memref<128xi32, #tpu.memory_space<hbm>>
          tpu.wait_dma2 semaphore(%run_scoped3A_40 : memref<!tpu.dma_semaphore, #tpu.memory_space<semaphore_mem>>) src(%dma_wait3A_44 : memref<128xi32, #tpu.memory_space<hbm>>) dst(%arg14 : memref<128xi32, #tpu.memory_space<vmem>>)
          tpu.yield
        }) : () -> ()
        %dma_start3A_28 = arith.constant 0 : i32
        %dma_start3A_29 = arith.constant 0 : i32
        %dma_start3A_30 = tpu.memref_slice %arg2[%dma_start3A_28, %dma_start3A_29] : memref<10000x128xf32, #tpu.memory_space<hbm>> -> memref<10000x128xf32, #tpu.memory_space<hbm>>
        tpu.enqueue_indirect_dma source(%dma_start3A_30 : memref<10000x128xf32, #tpu.memory_space<hbm>>) target(%arg15 : memref<128x128xf32, #tpu.memory_space<vmem>>) offsets(%arg13 : memref<128xi32, #tpu.memory_space<vmem>>) semaphore(%arg18 : memref<!tpu.dma_semaphore, #tpu.memory_space<semaphore_mem>>)
        %dma_wait3A = arith.constant 0 : i32
        %dma_wait3A_31 = arith.constant 0 : i32
        %dma_wait3A_32 = tpu.memref_slice %arg2[%dma_wait3A, %dma_wait3A_31] : memref<10000x128xf32, #tpu.memory_space<hbm>> -> memref<10000x128xf32, #tpu.memory_space<hbm>>
        tpu.wait_indirect_dma semaphore(%arg17 : memref<!tpu.dma_semaphore, #tpu.memory_space<semaphore_mem>>) src(%dma_wait3A_32 : memref<10000x128xf32, #tpu.memory_space<hbm>>) dst(%arg12 : memref<128x128xf32, #tpu.memory_space<vmem>>)
        "tpu.region"() ({
          %run_scoped3A_40 = tpu.sem_alloc : memref<!tpu.dma_semaphore, #tpu.memory_space<semaphore_mem>>
          %dma_start3A_41 = arith.constant 0 : i32
          %dma_start3A_42 = arith.constant 0 : i32
          %dma_start3A_43 = tpu.memref_slice %arg16[%dma_start3A_41, %dma_start3A_42] : memref<10240x128xf32, #tpu.memory_space<vmem_shared>> -> memref<10240x128xf32, #tpu.memory_space<vmem_shared>>
          tpu.enqueue_indirect_dma source(%arg12 : memref<128x128xf32, #tpu.memory_space<vmem>>) target(%dma_start3A_43 : memref<10240x128xf32, #tpu.memory_space<vmem_shared>>) offsets(%arg11 : memref<128xi32, #tpu.memory_space<vmem>>) semaphore(%run_scoped3A_40 : memref<!tpu.dma_semaphore, #tpu.memory_space<semaphore_mem>>) {add = true}
          %dma_wait3A_44 = arith.constant 0 : i32
          %dma_wait3A_45 = arith.constant 0 : i32
          %dma_wait3A_46 = tpu.memref_slice %arg16[%dma_wait3A_44, %dma_wait3A_45] : memref<10240x128xf32, #tpu.memory_space<vmem_shared>> -> memref<10240x128xf32, #tpu.memory_space<vmem_shared>>
          tpu.wait_indirect_dma semaphore(%run_scoped3A_40 : memref<!tpu.dma_semaphore, #tpu.memory_space<semaphore_mem>>) src(%arg12 : memref<128x128xf32, #tpu.memory_space<vmem>>) dst(%dma_wait3A_46 : memref<10240x128xf32, #tpu.memory_space<vmem_shared>>)
          tpu.yield
        }) : () -> ()
        %lt3A = arith.constant 78 : i32
        %lt3A_33 = arith.cmpi slt, %add3A_20, %lt3A : i32
        %convert_element_type3A_34 = arith.extui %lt3A_33 : i1 to i32
        %cond3A_35 = arith.constant 0 : i32
        %cond3A_36 = arith.cmpi ne, %convert_element_type3A_34, %cond3A_35 : i32
        scf.if %cond3A_36 {
          %mul3A_40 = arith.constant 2 : i32
          %mul3A_41 = arith.muli %mul3A_40, %add3A_20 : i32
          %add3A_42 = arith.constant 2 : i32
          %add3A_43 = arith.addi %mul3A_41, %add3A_42 : i32
          %mul3A_44 = arith.constant 128 : i32
          %mul3A_45 = arith.muli %add3A_43, %mul3A_44 : i32
          %add3A_46 = arith.addi %mul3A_9, %mul3A_45 : i32
          "tpu.region"() ({
            %run_scoped3A_50 = tpu.sem_alloc : memref<!tpu.dma_semaphore, #tpu.memory_space<semaphore_mem>>
            %dma_start3A_51 = tpu.memref_slice %arg3[%add3A_46] : memref<323584xi32, #tpu.memory_space<hbm>> -> memref<128xi32, #tpu.memory_space<hbm>>
            %dma_start3A_52 = tpu.memref_slice %arg3[%add3A_46] : memref<323584xi32, #tpu.memory_space<hbm>> -> memref<128xi32, #tpu.memory_space<hbm>>
            tpu.enqueue_dma source(%dma_start3A_52 : memref<128xi32, #tpu.memory_space<hbm>>) target(%arg10 : memref<128xi32, #tpu.memory_space<vmem>>) target_semaphore(%run_scoped3A_50 : memref<!tpu.dma_semaphore, #tpu.memory_space<semaphore_mem>>)
            %dma_wait3A_53 = tpu.memref_slice %arg3[%add3A_46] : memref<323584xi32, #tpu.memory_space<hbm>> -> memref<128xi32, #tpu.memory_space<hbm>>
            %dma_wait3A_54 = tpu.memref_slice %arg3[%add3A_46] : memref<323584xi32, #tpu.memory_space<hbm>> -> memref<128xi32, #tpu.memory_space<hbm>>
            tpu.wait_dma2 semaphore(%run_scoped3A_50 : memref<!tpu.dma_semaphore, #tpu.memory_space<semaphore_mem>>) src(%dma_wait3A_54 : memref<128xi32, #tpu.memory_space<hbm>>) dst(%arg10 : memref<128xi32, #tpu.memory_space<vmem>>)
            tpu.yield
          }) : () -> ()
          "tpu.region"() ({
            %run_scoped3A_50 = tpu.sem_alloc : memref<!tpu.dma_semaphore, #tpu.memory_space<semaphore_mem>>
            %dma_start3A_51 = tpu.memref_slice %arg4[%add3A_46] : memref<323584xi32, #tpu.memory_space<hbm>> -> memref<128xi32, #tpu.memory_space<hbm>>
            %dma_start3A_52 = tpu.memref_slice %arg4[%add3A_46] : memref<323584xi32, #tpu.memory_space<hbm>> -> memref<128xi32, #tpu.memory_space<hbm>>
            tpu.enqueue_dma source(%dma_start3A_52 : memref<128xi32, #tpu.memory_space<hbm>>) target(%arg11 : memref<128xi32, #tpu.memory_space<vmem>>) target_semaphore(%run_scoped3A_50 : memref<!tpu.dma_semaphore, #tpu.memory_space<semaphore_mem>>)
            %dma_wait3A_53 = tpu.memref_slice %arg4[%add3A_46] : memref<323584xi32, #tpu.memory_space<hbm>> -> memref<128xi32, #tpu.memory_space<hbm>>
            %dma_wait3A_54 = tpu.memref_slice %arg4[%add3A_46] : memref<323584xi32, #tpu.memory_space<hbm>> -> memref<128xi32, #tpu.memory_space<hbm>>
            tpu.wait_dma2 semaphore(%run_scoped3A_50 : memref<!tpu.dma_semaphore, #tpu.memory_space<semaphore_mem>>) src(%dma_wait3A_54 : memref<128xi32, #tpu.memory_space<hbm>>) dst(%arg11 : memref<128xi32, #tpu.memory_space<vmem>>)
            tpu.yield
          }) : () -> ()
          %dma_start3A_47 = arith.constant 0 : i32
          %dma_start3A_48 = arith.constant 0 : i32
          %dma_start3A_49 = tpu.memref_slice %arg2[%dma_start3A_47, %dma_start3A_48] : memref<10000x128xf32, #tpu.memory_space<hbm>> -> memref<10000x128xf32, #tpu.memory_space<hbm>>
          tpu.enqueue_indirect_dma source(%dma_start3A_49 : memref<10000x128xf32, #tpu.memory_space<hbm>>) target(%arg12 : memref<128x128xf32, #tpu.memory_space<vmem>>) offsets(%arg10 : memref<128xi32, #tpu.memory_space<vmem>>) semaphore(%arg17 : memref<!tpu.dma_semaphore, #tpu.memory_space<semaphore_mem>>)
        } else {
        }
        %dma_wait3A_37 = arith.constant 0 : i32
        %dma_wait3A_38 = arith.constant 0 : i32
        %dma_wait3A_39 = tpu.memref_slice %arg2[%dma_wait3A_37, %dma_wait3A_38] : memref<10000x128xf32, #tpu.memory_space<hbm>> -> memref<10000x128xf32, #tpu.memory_space<hbm>>
        tpu.wait_indirect_dma semaphore(%arg18 : memref<!tpu.dma_semaphore, #tpu.memory_space<semaphore_mem>>) src(%dma_wait3A_39 : memref<10000x128xf32, #tpu.memory_space<hbm>>) dst(%arg15 : memref<128x128xf32, #tpu.memory_space<vmem>>)
        "tpu.region"() ({
          %run_scoped3A_40 = tpu.sem_alloc : memref<!tpu.dma_semaphore, #tpu.memory_space<semaphore_mem>>
          %dma_start3A_41 = arith.constant 0 : i32
          %dma_start3A_42 = arith.constant 0 : i32
          %dma_start3A_43 = tpu.memref_slice %arg16[%dma_start3A_41, %dma_start3A_42] : memref<10240x128xf32, #tpu.memory_space<vmem_shared>> -> memref<10240x128xf32, #tpu.memory_space<vmem_shared>>
          tpu.enqueue_indirect_dma source(%arg15 : memref<128x128xf32, #tpu.memory_space<vmem>>) target(%dma_start3A_43 : memref<10240x128xf32, #tpu.memory_space<vmem_shared>>) offsets(%arg14 : memref<128xi32, #tpu.memory_space<vmem>>) semaphore(%run_scoped3A_40 : memref<!tpu.dma_semaphore, #tpu.memory_space<semaphore_mem>>) {add = true}
          %dma_wait3A_44 = arith.constant 0 : i32
          %dma_wait3A_45 = arith.constant 0 : i32
          %dma_wait3A_46 = tpu.memref_slice %arg16[%dma_wait3A_44, %dma_wait3A_45] : memref<10240x128xf32, #tpu.memory_space<vmem_shared>> -> memref<10240x128xf32, #tpu.memory_space<vmem_shared>>
          tpu.wait_indirect_dma semaphore(%run_scoped3A_40 : memref<!tpu.dma_semaphore, #tpu.memory_space<semaphore_mem>>) src(%arg15 : memref<128x128xf32, #tpu.memory_space<vmem>>) dst(%dma_wait3A_46 : memref<10240x128xf32, #tpu.memory_space<vmem_shared>>)
          tpu.yield
        }) : () -> ()
      }
      %scan3A_15 = arith.constant 79 : i32
      %barrier3A_16 = arith.constant 0 : index
      tpu.barrier barrier_id(%barrier3A_16)
      %run_scoped3A = arith.constant 0 : i32
      "tpu.region"() ({
        %run_scoped3A_17 = tpu.sem_alloc : memref<!tpu.dma_semaphore, #tpu.memory_space<semaphore_mem>>
        %dma_start3A_18 = arith.constant 0 : i32
        %dma_start3A_19 = arith.constant 0 : i32
        %dma_start3A_20 = tpu.memref_slice %arg9[%run_scoped3A, %dma_start3A_18, %dma_start3A_19] : memref<2x10240x128xf32, #tpu.memory_space<hbm>> -> memref<1x10240x128xf32, #tpu.memory_space<hbm>>
        %dma_start3A_21 = tpu.memref_squeeze %dma_start3A_20 : memref<1x10240x128xf32, #tpu.memory_space<hbm>> -> memref<10240x128xf32, #tpu.memory_space<hbm>>
        %dma_start3A_22 = arith.constant 0 : i32
        %dma_start3A_23 = tpu.memref_slice %dma_start3A_21[%mul3A_7, %dma_start3A_22] : memref<10240x128xf32, #tpu.memory_space<hbm>> -> memref<640x128xf32, #tpu.memory_space<hbm>>
        %dma_start3A_24 = arith.constant 0 : i32
        %dma_start3A_25 = tpu.memref_slice %arg16[%mul3A_7, %dma_start3A_24] : memref<10240x128xf32, #tpu.memory_space<vmem_shared>> -> memref<640x128xf32, #tpu.memory_space<vmem_shared>>
        tpu.enqueue_dma source(%dma_start3A_25 : memref<640x128xf32, #tpu.memory_space<vmem_shared>>) target(%dma_start3A_23 : memref<640x128xf32, #tpu.memory_space<hbm>>) target_semaphore(%run_scoped3A_17 : memref<!tpu.dma_semaphore, #tpu.memory_space<semaphore_mem>>)
        %dma_wait3A = arith.constant 0 : i32
        %dma_wait3A_26 = arith.constant 0 : i32
        %dma_wait3A_27 = tpu.memref_slice %arg9[%run_scoped3A, %dma_wait3A, %dma_wait3A_26] : memref<2x10240x128xf32, #tpu.memory_space<hbm>> -> memref<1x10240x128xf32, #tpu.memory_space<hbm>>
        %dma_wait3A_28 = tpu.memref_squeeze %dma_wait3A_27 : memref<1x10240x128xf32, #tpu.memory_space<hbm>> -> memref<10240x128xf32, #tpu.memory_space<hbm>>
        %dma_wait3A_29 = arith.constant 0 : i32
        %dma_wait3A_30 = tpu.memref_slice %dma_wait3A_28[%mul3A_7, %dma_wait3A_29] : memref<10240x128xf32, #tpu.memory_space<hbm>> -> memref<640x128xf32, #tpu.memory_space<hbm>>
        %dma_wait3A_31 = arith.constant 0 : i32
        %dma_wait3A_32 = tpu.memref_slice %arg16[%mul3A_7, %dma_wait3A_31] : memref<10240x128xf32, #tpu.memory_space<vmem_shared>> -> memref<640x128xf32, #tpu.memory_space<vmem_shared>>
        tpu.wait_dma2 semaphore(%run_scoped3A_17 : memref<!tpu.dma_semaphore, #tpu.memory_space<semaphore_mem>>) src(%dma_wait3A_32 : memref<640x128xf32, #tpu.memory_space<vmem_shared>>) dst(%dma_wait3A_30 : memref<640x128xf32, #tpu.memory_space<hbm>>)
        tpu.yield
      }) : () -> ()
    } else {
    }
    %eq3A_2 = arith.constant 1 : i32
    %eq3A_3 = arith.cmpi eq, %arg0, %eq3A_2 : i32
    %convert_element_type3A_4 = arith.extui %eq3A_3 : i1 to i32
    %cond3A_5 = arith.constant 0 : i32
    %cond3A_6 = arith.cmpi ne, %convert_element_type3A_4, %cond3A_5 : i32
    scf.if %cond3A_6 {
      %mul3A = arith.constant 640 : i32
      %mul3A_7 = arith.muli %arg1, %mul3A : i32
      "tpu.region"() ({
        %run_scoped3A_17 = tpu.sem_alloc : memref<!tpu.dma_semaphore, #tpu.memory_space<semaphore_mem>>
        %dma_start3A_18 = arith.constant 0 : i32
        %dma_start3A_19 = tpu.memref_slice %arg16[%mul3A_7, %dma_start3A_18] : memref<10240x128xf32, #tpu.memory_space<vmem_shared>> -> memref<640x128xf32, #tpu.memory_space<vmem_shared>>
        %dma_start3A_20 = arith.constant 0 : i32
        %dma_start3A_21 = tpu.memref_slice %arg8[%mul3A_7, %dma_start3A_20] : memref<10240x128xf32, #tpu.memory_space<hbm>> -> memref<640x128xf32, #tpu.memory_space<hbm>>
        tpu.enqueue_dma source(%dma_start3A_21 : memref<640x128xf32, #tpu.memory_space<hbm>>) target(%dma_start3A_19 : memref<640x128xf32, #tpu.memory_space<vmem_shared>>) target_semaphore(%run_scoped3A_17 : memref<!tpu.dma_semaphore, #tpu.memory_space<semaphore_mem>>)
        %dma_wait3A = arith.constant 0 : i32
        %dma_wait3A_22 = tpu.memref_slice %arg16[%mul3A_7, %dma_wait3A] : memref<10240x128xf32, #tpu.memory_space<vmem_shared>> -> memref<640x128xf32, #tpu.memory_space<vmem_shared>>
        %dma_wait3A_23 = arith.constant 0 : i32
        %dma_wait3A_24 = tpu.memref_slice %arg8[%mul3A_7, %dma_wait3A_23] : memref<10240x128xf32, #tpu.memory_space<hbm>> -> memref<640x128xf32, #tpu.memory_space<hbm>>
        tpu.wait_dma2 semaphore(%run_scoped3A_17 : memref<!tpu.dma_semaphore, #tpu.memory_space<semaphore_mem>>) src(%dma_wait3A_24 : memref<640x128xf32, #tpu.memory_space<hbm>>) dst(%dma_wait3A_22 : memref<640x128xf32, #tpu.memory_space<vmem_shared>>)
        tpu.yield
      }) : () -> ()
      %barrier3A = arith.constant 0 : index
      tpu.barrier barrier_id(%barrier3A)
      %mul3A_8 = arith.constant 20224 : i32
      %mul3A_9 = arith.muli %arg1, %mul3A_8 : i32
      "tpu.region"() ({
        %run_scoped3A_17 = tpu.sem_alloc : memref<!tpu.dma_semaphore, #tpu.memory_space<semaphore_mem>>
        %dma_start3A_18 = tpu.memref_slice %arg6[%mul3A_9] : memref<323584xi32, #tpu.memory_space<hbm>> -> memref<128xi32, #tpu.memory_space<hbm>>
        %dma_start3A_19 = tpu.memref_slice %arg6[%mul3A_9] : memref<323584xi32, #tpu.memory_space<hbm>> -> memref<128xi32, #tpu.memory_space<hbm>>
        tpu.enqueue_dma source(%dma_start3A_19 : memref<128xi32, #tpu.memory_space<hbm>>) target(%arg10 : memref<128xi32, #tpu.memory_space<vmem>>) target_semaphore(%run_scoped3A_17 : memref<!tpu.dma_semaphore, #tpu.memory_space<semaphore_mem>>)
        %dma_wait3A = tpu.memref_slice %arg6[%mul3A_9] : memref<323584xi32, #tpu.memory_space<hbm>> -> memref<128xi32, #tpu.memory_space<hbm>>
        %dma_wait3A_20 = tpu.memref_slice %arg6[%mul3A_9] : memref<323584xi32, #tpu.memory_space<hbm>> -> memref<128xi32, #tpu.memory_space<hbm>>
        tpu.wait_dma2 semaphore(%run_scoped3A_17 : memref<!tpu.dma_semaphore, #tpu.memory_space<semaphore_mem>>) src(%dma_wait3A_20 : memref<128xi32, #tpu.memory_space<hbm>>) dst(%arg10 : memref<128xi32, #tpu.memory_space<vmem>>)
        tpu.yield
      }) : () -> ()
      "tpu.region"() ({
        %run_scoped3A_17 = tpu.sem_alloc : memref<!tpu.dma_semaphore, #tpu.memory_space<semaphore_mem>>
        %dma_start3A_18 = tpu.memref_slice %arg7[%mul3A_9] : memref<323584xi32, #tpu.memory_space<hbm>> -> memref<128xi32, #tpu.memory_space<hbm>>
        %dma_start3A_19 = tpu.memref_slice %arg7[%mul3A_9] : memref<323584xi32, #tpu.memory_space<hbm>> -> memref<128xi32, #tpu.memory_space<hbm>>
        tpu.enqueue_dma source(%dma_start3A_19 : memref<128xi32, #tpu.memory_space<hbm>>) target(%arg11 : memref<128xi32, #tpu.memory_space<vmem>>) target_semaphore(%run_scoped3A_17 : memref<!tpu.dma_semaphore, #tpu.memory_space<semaphore_mem>>)
        %dma_wait3A = tpu.memref_slice %arg7[%mul3A_9] : memref<323584xi32, #tpu.memory_space<hbm>> -> memref<128xi32, #tpu.memory_space<hbm>>
        %dma_wait3A_20 = tpu.memref_slice %arg7[%mul3A_9] : memref<323584xi32, #tpu.memory_space<hbm>> -> memref<128xi32, #tpu.memory_space<hbm>>
        tpu.wait_dma2 semaphore(%run_scoped3A_17 : memref<!tpu.dma_semaphore, #tpu.memory_space<semaphore_mem>>) src(%dma_wait3A_20 : memref<128xi32, #tpu.memory_space<hbm>>) dst(%arg11 : memref<128xi32, #tpu.memory_space<vmem>>)
        tpu.yield
      }) : () -> ()
      %dma_start3A = arith.constant 0 : i32
      %dma_start3A_10 = arith.constant 0 : i32
      %dma_start3A_11 = tpu.memref_slice %arg5[%dma_start3A, %dma_start3A_10] : memref<10000x128xf32, #tpu.memory_space<hbm>> -> memref<10000x128xf32, #tpu.memory_space<hbm>>
      tpu.enqueue_indirect_dma source(%dma_start3A_11 : memref<10000x128xf32, #tpu.memory_space<hbm>>) target(%arg12 : memref<128x128xf32, #tpu.memory_space<vmem>>) offsets(%arg10 : memref<128xi32, #tpu.memory_space<vmem>>) semaphore(%arg17 : memref<!tpu.dma_semaphore, #tpu.memory_space<semaphore_mem>>)
      %scan3A = arith.constant 0 : i32
      %scan3A_12 = arith.constant 79 : i32
      %scan3A_13 = arith.addi %scan3A, %scan3A_12 : i32
      %scan3A_14 = arith.constant 1 : i32
      scf.for %scan3A_17 = %scan3A to %scan3A_13 step %scan3A_14  : i32 {
        %mul3A_18 = arith.constant 1 : i32
        %mul3A_19 = arith.muli %scan3A_17, %mul3A_18 : i32
        %add3A = arith.constant 0 : i32
        %add3A_20 = arith.addi %add3A, %mul3A_19 : i32
        %mul3A_21 = arith.constant 2 : i32
        %mul3A_22 = arith.muli %mul3A_21, %add3A_20 : i32
        %add3A_23 = arith.constant 1 : i32
        %add3A_24 = arith.addi %mul3A_22, %add3A_23 : i32
        %mul3A_25 = arith.constant 128 : i32
        %mul3A_26 = arith.muli %add3A_24, %mul3A_25 : i32
        %add3A_27 = arith.addi %mul3A_9, %mul3A_26 : i32
        "tpu.region"() ({
          %run_scoped3A_40 = tpu.sem_alloc : memref<!tpu.dma_semaphore, #tpu.memory_space<semaphore_mem>>
          %dma_start3A_41 = tpu.memref_slice %arg6[%add3A_27] : memref<323584xi32, #tpu.memory_space<hbm>> -> memref<128xi32, #tpu.memory_space<hbm>>
          %dma_start3A_42 = tpu.memref_slice %arg6[%add3A_27] : memref<323584xi32, #tpu.memory_space<hbm>> -> memref<128xi32, #tpu.memory_space<hbm>>
          tpu.enqueue_dma source(%dma_start3A_42 : memref<128xi32, #tpu.memory_space<hbm>>) target(%arg13 : memref<128xi32, #tpu.memory_space<vmem>>) target_semaphore(%run_scoped3A_40 : memref<!tpu.dma_semaphore, #tpu.memory_space<semaphore_mem>>)
          %dma_wait3A_43 = tpu.memref_slice %arg6[%add3A_27] : memref<323584xi32, #tpu.memory_space<hbm>> -> memref<128xi32, #tpu.memory_space<hbm>>
          %dma_wait3A_44 = tpu.memref_slice %arg6[%add3A_27] : memref<323584xi32, #tpu.memory_space<hbm>> -> memref<128xi32, #tpu.memory_space<hbm>>
          tpu.wait_dma2 semaphore(%run_scoped3A_40 : memref<!tpu.dma_semaphore, #tpu.memory_space<semaphore_mem>>) src(%dma_wait3A_44 : memref<128xi32, #tpu.memory_space<hbm>>) dst(%arg13 : memref<128xi32, #tpu.memory_space<vmem>>)
          tpu.yield
        }) : () -> ()
        "tpu.region"() ({
          %run_scoped3A_40 = tpu.sem_alloc : memref<!tpu.dma_semaphore, #tpu.memory_space<semaphore_mem>>
          %dma_start3A_41 = tpu.memref_slice %arg7[%add3A_27] : memref<323584xi32, #tpu.memory_space<hbm>> -> memref<128xi32, #tpu.memory_space<hbm>>
          %dma_start3A_42 = tpu.memref_slice %arg7[%add3A_27] : memref<323584xi32, #tpu.memory_space<hbm>> -> memref<128xi32, #tpu.memory_space<hbm>>
          tpu.enqueue_dma source(%dma_start3A_42 : memref<128xi32, #tpu.memory_space<hbm>>) target(%arg14 : memref<128xi32, #tpu.memory_space<vmem>>) target_semaphore(%run_scoped3A_40 : memref<!tpu.dma_semaphore, #tpu.memory_space<semaphore_mem>>)
          %dma_wait3A_43 = tpu.memref_slice %arg7[%add3A_27] : memref<323584xi32, #tpu.memory_space<hbm>> -> memref<128xi32, #tpu.memory_space<hbm>>
          %dma_wait3A_44 = tpu.memref_slice %arg7[%add3A_27] : memref<323584xi32, #tpu.memory_space<hbm>> -> memref<128xi32, #tpu.memory_space<hbm>>
          tpu.wait_dma2 semaphore(%run_scoped3A_40 : memref<!tpu.dma_semaphore, #tpu.memory_space<semaphore_mem>>) src(%dma_wait3A_44 : memref<128xi32, #tpu.memory_space<hbm>>) dst(%arg14 : memref<128xi32, #tpu.memory_space<vmem>>)
          tpu.yield
        }) : () -> ()
        %dma_start3A_28 = arith.constant 0 : i32
        %dma_start3A_29 = arith.constant 0 : i32
        %dma_start3A_30 = tpu.memref_slice %arg5[%dma_start3A_28, %dma_start3A_29] : memref<10000x128xf32, #tpu.memory_space<hbm>> -> memref<10000x128xf32, #tpu.memory_space<hbm>>
        tpu.enqueue_indirect_dma source(%dma_start3A_30 : memref<10000x128xf32, #tpu.memory_space<hbm>>) target(%arg15 : memref<128x128xf32, #tpu.memory_space<vmem>>) offsets(%arg13 : memref<128xi32, #tpu.memory_space<vmem>>) semaphore(%arg18 : memref<!tpu.dma_semaphore, #tpu.memory_space<semaphore_mem>>)
        %dma_wait3A = arith.constant 0 : i32
        %dma_wait3A_31 = arith.constant 0 : i32
        %dma_wait3A_32 = tpu.memref_slice %arg5[%dma_wait3A, %dma_wait3A_31] : memref<10000x128xf32, #tpu.memory_space<hbm>> -> memref<10000x128xf32, #tpu.memory_space<hbm>>
        tpu.wait_indirect_dma semaphore(%arg17 : memref<!tpu.dma_semaphore, #tpu.memory_space<semaphore_mem>>) src(%dma_wait3A_32 : memref<10000x128xf32, #tpu.memory_space<hbm>>) dst(%arg12 : memref<128x128xf32, #tpu.memory_space<vmem>>)
        "tpu.region"() ({
          %run_scoped3A_40 = tpu.sem_alloc : memref<!tpu.dma_semaphore, #tpu.memory_space<semaphore_mem>>
          %dma_start3A_41 = arith.constant 0 : i32
          %dma_start3A_42 = arith.constant 0 : i32
          %dma_start3A_43 = tpu.memref_slice %arg16[%dma_start3A_41, %dma_start3A_42] : memref<10240x128xf32, #tpu.memory_space<vmem_shared>> -> memref<10240x128xf32, #tpu.memory_space<vmem_shared>>
          tpu.enqueue_indirect_dma source(%arg12 : memref<128x128xf32, #tpu.memory_space<vmem>>) target(%dma_start3A_43 : memref<10240x128xf32, #tpu.memory_space<vmem_shared>>) offsets(%arg11 : memref<128xi32, #tpu.memory_space<vmem>>) semaphore(%run_scoped3A_40 : memref<!tpu.dma_semaphore, #tpu.memory_space<semaphore_mem>>) {add = true}
          %dma_wait3A_44 = arith.constant 0 : i32
          %dma_wait3A_45 = arith.constant 0 : i32
          %dma_wait3A_46 = tpu.memref_slice %arg16[%dma_wait3A_44, %dma_wait3A_45] : memref<10240x128xf32, #tpu.memory_space<vmem_shared>> -> memref<10240x128xf32, #tpu.memory_space<vmem_shared>>
          tpu.wait_indirect_dma semaphore(%run_scoped3A_40 : memref<!tpu.dma_semaphore, #tpu.memory_space<semaphore_mem>>) src(%arg12 : memref<128x128xf32, #tpu.memory_space<vmem>>) dst(%dma_wait3A_46 : memref<10240x128xf32, #tpu.memory_space<vmem_shared>>)
          tpu.yield
        }) : () -> ()
        %lt3A = arith.constant 78 : i32
        %lt3A_33 = arith.cmpi slt, %add3A_20, %lt3A : i32
        %convert_element_type3A_34 = arith.extui %lt3A_33 : i1 to i32
        %cond3A_35 = arith.constant 0 : i32
        %cond3A_36 = arith.cmpi ne, %convert_element_type3A_34, %cond3A_35 : i32
        scf.if %cond3A_36 {
          %mul3A_40 = arith.constant 2 : i32
          %mul3A_41 = arith.muli %mul3A_40, %add3A_20 : i32
          %add3A_42 = arith.constant 2 : i32
          %add3A_43 = arith.addi %mul3A_41, %add3A_42 : i32
          %mul3A_44 = arith.constant 128 : i32
          %mul3A_45 = arith.muli %add3A_43, %mul3A_44 : i32
          %add3A_46 = arith.addi %mul3A_9, %mul3A_45 : i32
          "tpu.region"() ({
            %run_scoped3A_50 = tpu.sem_alloc : memref<!tpu.dma_semaphore, #tpu.memory_space<semaphore_mem>>
            %dma_start3A_51 = tpu.memref_slice %arg6[%add3A_46] : memref<323584xi32, #tpu.memory_space<hbm>> -> memref<128xi32, #tpu.memory_space<hbm>>
            %dma_start3A_52 = tpu.memref_slice %arg6[%add3A_46] : memref<323584xi32, #tpu.memory_space<hbm>> -> memref<128xi32, #tpu.memory_space<hbm>>
            tpu.enqueue_dma source(%dma_start3A_52 : memref<128xi32, #tpu.memory_space<hbm>>) target(%arg10 : memref<128xi32, #tpu.memory_space<vmem>>) target_semaphore(%run_scoped3A_50 : memref<!tpu.dma_semaphore, #tpu.memory_space<semaphore_mem>>)
            %dma_wait3A_53 = tpu.memref_slice %arg6[%add3A_46] : memref<323584xi32, #tpu.memory_space<hbm>> -> memref<128xi32, #tpu.memory_space<hbm>>
            %dma_wait3A_54 = tpu.memref_slice %arg6[%add3A_46] : memref<323584xi32, #tpu.memory_space<hbm>> -> memref<128xi32, #tpu.memory_space<hbm>>
            tpu.wait_dma2 semaphore(%run_scoped3A_50 : memref<!tpu.dma_semaphore, #tpu.memory_space<semaphore_mem>>) src(%dma_wait3A_54 : memref<128xi32, #tpu.memory_space<hbm>>) dst(%arg10 : memref<128xi32, #tpu.memory_space<vmem>>)
            tpu.yield
          }) : () -> ()
          "tpu.region"() ({
            %run_scoped3A_50 = tpu.sem_alloc : memref<!tpu.dma_semaphore, #tpu.memory_space<semaphore_mem>>
            %dma_start3A_51 = tpu.memref_slice %arg7[%add3A_46] : memref<323584xi32, #tpu.memory_space<hbm>> -> memref<128xi32, #tpu.memory_space<hbm>>
            %dma_start3A_52 = tpu.memref_slice %arg7[%add3A_46] : memref<323584xi32, #tpu.memory_space<hbm>> -> memref<128xi32, #tpu.memory_space<hbm>>
            tpu.enqueue_dma source(%dma_start3A_52 : memref<128xi32, #tpu.memory_space<hbm>>) target(%arg11 : memref<128xi32, #tpu.memory_space<vmem>>) target_semaphore(%run_scoped3A_50 : memref<!tpu.dma_semaphore, #tpu.memory_space<semaphore_mem>>)
            %dma_wait3A_53 = tpu.memref_slice %arg7[%add3A_46] : memref<323584xi32, #tpu.memory_space<hbm>> -> memref<128xi32, #tpu.memory_space<hbm>>
            %dma_wait3A_54 = tpu.memref_slice %arg7[%add3A_46] : memref<323584xi32, #tpu.memory_space<hbm>> -> memref<128xi32, #tpu.memory_space<hbm>>
            tpu.wait_dma2 semaphore(%run_scoped3A_50 : memref<!tpu.dma_semaphore, #tpu.memory_space<semaphore_mem>>) src(%dma_wait3A_54 : memref<128xi32, #tpu.memory_space<hbm>>) dst(%arg11 : memref<128xi32, #tpu.memory_space<vmem>>)
            tpu.yield
          }) : () -> ()
          %dma_start3A_47 = arith.constant 0 : i32
          %dma_start3A_48 = arith.constant 0 : i32
          %dma_start3A_49 = tpu.memref_slice %arg5[%dma_start3A_47, %dma_start3A_48] : memref<10000x128xf32, #tpu.memory_space<hbm>> -> memref<10000x128xf32, #tpu.memory_space<hbm>>
          tpu.enqueue_indirect_dma source(%dma_start3A_49 : memref<10000x128xf32, #tpu.memory_space<hbm>>) target(%arg12 : memref<128x128xf32, #tpu.memory_space<vmem>>) offsets(%arg10 : memref<128xi32, #tpu.memory_space<vmem>>) semaphore(%arg17 : memref<!tpu.dma_semaphore, #tpu.memory_space<semaphore_mem>>)
        } else {
        }
        %dma_wait3A_37 = arith.constant 0 : i32
        %dma_wait3A_38 = arith.constant 0 : i32
        %dma_wait3A_39 = tpu.memref_slice %arg5[%dma_wait3A_37, %dma_wait3A_38] : memref<10000x128xf32, #tpu.memory_space<hbm>> -> memref<10000x128xf32, #tpu.memory_space<hbm>>
        tpu.wait_indirect_dma semaphore(%arg18 : memref<!tpu.dma_semaphore, #tpu.memory_space<semaphore_mem>>) src(%dma_wait3A_39 : memref<10000x128xf32, #tpu.memory_space<hbm>>) dst(%arg15 : memref<128x128xf32, #tpu.memory_space<vmem>>)
        "tpu.region"() ({
          %run_scoped3A_40 = tpu.sem_alloc : memref<!tpu.dma_semaphore, #tpu.memory_space<semaphore_mem>>
          %dma_start3A_41 = arith.constant 0 : i32
          %dma_start3A_42 = arith.constant 0 : i32
          %dma_start3A_43 = tpu.memref_slice %arg16[%dma_start3A_41, %dma_start3A_42] : memref<10240x128xf32, #tpu.memory_space<vmem_shared>> -> memref<10240x128xf32, #tpu.memory_space<vmem_shared>>
          tpu.enqueue_indirect_dma source(%arg15 : memref<128x128xf32, #tpu.memory_space<vmem>>) target(%dma_start3A_43 : memref<10240x128xf32, #tpu.memory_space<vmem_shared>>) offsets(%arg14 : memref<128xi32, #tpu.memory_space<vmem>>) semaphore(%run_scoped3A_40 : memref<!tpu.dma_semaphore, #tpu.memory_space<semaphore_mem>>) {add = true}
          %dma_wait3A_44 = arith.constant 0 : i32
          %dma_wait3A_45 = arith.constant 0 : i32
          %dma_wait3A_46 = tpu.memref_slice %arg16[%dma_wait3A_44, %dma_wait3A_45] : memref<10240x128xf32, #tpu.memory_space<vmem_shared>> -> memref<10240x128xf32, #tpu.memory_space<vmem_shared>>
          tpu.wait_indirect_dma semaphore(%run_scoped3A_40 : memref<!tpu.dma_semaphore, #tpu.memory_space<semaphore_mem>>) src(%arg15 : memref<128x128xf32, #tpu.memory_space<vmem>>) dst(%dma_wait3A_46 : memref<10240x128xf32, #tpu.memory_space<vmem_shared>>)
          tpu.yield
        }) : () -> ()
      }
      %scan3A_15 = arith.constant 79 : i32
      %barrier3A_16 = arith.constant 0 : index
      tpu.barrier barrier_id(%barrier3A_16)
      %run_scoped3A = arith.constant 1 : i32
      "tpu.region"() ({
        %run_scoped3A_17 = tpu.sem_alloc : memref<!tpu.dma_semaphore, #tpu.memory_space<semaphore_mem>>
        %dma_start3A_18 = arith.constant 0 : i32
        %dma_start3A_19 = arith.constant 0 : i32
        %dma_start3A_20 = tpu.memref_slice %arg9[%run_scoped3A, %dma_start3A_18, %dma_start3A_19] : memref<2x10240x128xf32, #tpu.memory_space<hbm>> -> memref<1x10240x128xf32, #tpu.memory_space<hbm>>
        %dma_start3A_21 = tpu.memref_squeeze %dma_start3A_20 : memref<1x10240x128xf32, #tpu.memory_space<hbm>> -> memref<10240x128xf32, #tpu.memory_space<hbm>>
        %dma_start3A_22 = arith.constant 0 : i32
        %dma_start3A_23 = tpu.memref_slice %dma_start3A_21[%mul3A_7, %dma_start3A_22] : memref<10240x128xf32, #tpu.memory_space<hbm>> -> memref<640x128xf32, #tpu.memory_space<hbm>>
        %dma_start3A_24 = arith.constant 0 : i32
        %dma_start3A_25 = tpu.memref_slice %arg16[%mul3A_7, %dma_start3A_24] : memref<10240x128xf32, #tpu.memory_space<vmem_shared>> -> memref<640x128xf32, #tpu.memory_space<vmem_shared>>
        tpu.enqueue_dma source(%dma_start3A_25 : memref<640x128xf32, #tpu.memory_space<vmem_shared>>) target(%dma_start3A_23 : memref<640x128xf32, #tpu.memory_space<hbm>>) target_semaphore(%run_scoped3A_17 : memref<!tpu.dma_semaphore, #tpu.memory_space<semaphore_mem>>)
        %dma_wait3A = arith.constant 0 : i32
        %dma_wait3A_26 = arith.constant 0 : i32
        %dma_wait3A_27 = tpu.memref_slice %arg9[%run_scoped3A, %dma_wait3A, %dma_wait3A_26] : memref<2x10240x128xf32, #tpu.memory_space<hbm>> -> memref<1x10240x128xf32, #tpu.memory_space<hbm>>
        %dma_wait3A_28 = tpu.memref_squeeze %dma_wait3A_27 : memref<1x10240x128xf32, #tpu.memory_space<hbm>> -> memref<10240x128xf32, #tpu.memory_space<hbm>>
        %dma_wait3A_29 = arith.constant 0 : i32
        %dma_wait3A_30 = tpu.memref_slice %dma_wait3A_28[%mul3A_7, %dma_wait3A_29] : memref<10240x128xf32, #tpu.memory_space<hbm>> -> memref<640x128xf32, #tpu.memory_space<hbm>>
        %dma_wait3A_31 = arith.constant 0 : i32
        %dma_wait3A_32 = tpu.memref_slice %arg16[%mul3A_7, %dma_wait3A_31] : memref<10240x128xf32, #tpu.memory_space<vmem_shared>> -> memref<640x128xf32, #tpu.memory_space<vmem_shared>>
        tpu.wait_dma2 semaphore(%run_scoped3A_17 : memref<!tpu.dma_semaphore, #tpu.memory_space<semaphore_mem>>) src(%dma_wait3A_32 : memref<640x128xf32, #tpu.memory_space<vmem_shared>>) dst(%dma_wait3A_30 : memref<640x128xf32, #tpu.memory_space<hbm>>)
        tpu.yield
      }) : () -> ()
    } else {
    }
    return
  }
}

module attributes {stable_mosaic.version = 14 : i64} {
  func.func @_tcb_body(%arg0: memref<2x10240x128xf32, #tpu.memory_space<vmem>>, %arg1: memref<10000x128xf32, #tpu.memory_space<vmem>>, %arg2: memref<10000x128xf32, #tpu.memory_space<vmem>>, %arg3: memref<128x128xf32, #tpu.memory_space<vmem>>, %arg4: memref<128x128xf32, #tpu.memory_space<vmem>>, %arg5: memref<128xf32, #tpu.memory_space<vmem>>, %arg6: memref<128xf32, #tpu.memory_space<vmem>>, %arg7: memref<128xf32, #tpu.memory_space<vmem>>, %arg8: memref<128x128xf32, #tpu.memory_space<vmem>>, %arg9: memref<128x128xf32, #tpu.memory_space<vmem>>, %arg10: memref<128xf32, #tpu.memory_space<vmem>>, %arg11: memref<128xf32, #tpu.memory_space<vmem>>, %arg12: memref<128xf32, #tpu.memory_space<vmem>>, %arg13: memref<128x1xf32, #tpu.memory_space<vmem>>, %arg14: memref<128x1xf32, #tpu.memory_space<vmem>>, %arg15: memref<10000x128xf32, #tpu.memory_space<vmem>>, %arg16: memref<10000x128xf32, #tpu.memory_space<vmem>>, %arg17: memref<10000x1xf32, #tpu.memory_space<vmem>>) attributes {dimension_semantics = [], scalar_prefetch = 0 : i64, scratch_operands = 0 : i64, tpu.core_type = #tpu.core_type<tc>} {
    %get3A = arith.constant 0 : index
    %get3A_0 = arith.constant 0 : index
    %get3A_1 = arith.constant 0 : index
    %get3A_2 = vector.load %arg0[%get3A, %get3A_0, %get3A_1] : memref<2x10240x128xf32, #tpu.memory_space<vmem>>, vector<1x10000x128xf32>
    %get3A_3 = vector.shape_cast %get3A_2 : vector<1x10000x128xf32> to vector<10000x128xf32>
    %get3A_4 = arith.constant 0 : index
    %get3A_5 = arith.constant 0 : index
    %get3A_6 = vector.load %arg3[%get3A_4, %get3A_5] : memref<128x128xf32, #tpu.memory_space<vmem>>, vector<128x128xf32>
    %dot_general3A = arith.constant dense<0.000000e+00> : vector<10000x128xf32>
    %dot_general3A_7 = tpu.matmul %get3A_3, %get3A_6, %dot_general3A {dimension_numbers = #tpu.dot_dimension_numbers<[1], [0], [0], [1], [0, 0, 1, 1], [], []>, transpose_lhs_hint = false} : vector<10000x128xf32>, vector<128x128xf32>, vector<10000x128xf32> -> vector<10000x128xf32>
    %get3A_8 = arith.constant 0 : index
    %get3A_9 = arith.constant 0 : index
    %get3A_10 = vector.load %arg1[%get3A_8, %get3A_9] : memref<10000x128xf32, #tpu.memory_space<vmem>>, vector<10000x128xf32>
    %get3A_11 = arith.constant 0 : index
    %get3A_12 = arith.constant 0 : index
    %get3A_13 = vector.load %arg4[%get3A_11, %get3A_12] : memref<128x128xf32, #tpu.memory_space<vmem>>, vector<128x128xf32>
    %dot_general3A_14 = arith.constant dense<0.000000e+00> : vector<10000x128xf32>
    %dot_general3A_15 = tpu.matmul %get3A_10, %get3A_13, %dot_general3A_14 {dimension_numbers = #tpu.dot_dimension_numbers<[1], [0], [0], [1], [0, 0, 1, 1], [], []>, transpose_lhs_hint = false} : vector<10000x128xf32>, vector<128x128xf32>, vector<10000x128xf32> -> vector<10000x128xf32>
    %add3A = arith.addf %dot_general3A_7, %dot_general3A_15 : vector<10000x128xf32>
    %get3A_16 = arith.constant 0 : index
    %get3A_17 = vector.load %arg5[%get3A_16] : memref<128xf32, #tpu.memory_space<vmem>>, vector<128xf32>
    %broadcast_in_dim3A = vector.shape_cast %get3A_17 : vector<128xf32> to vector<1x128xf32>
    %add3A_18 = vector.broadcast %broadcast_in_dim3A : vector<1x128xf32> to vector<10000x128xf32>
    %add3A_19 = arith.addf %add3A, %add3A_18 : vector<10000x128xf32>
    %get3A_20 = arith.constant 0 : index
    %get3A_21 = vector.load %arg6[%get3A_20] : memref<128xf32, #tpu.memory_space<vmem>>, vector<128xf32>
    %broadcast_in_dim3A_22 = vector.shape_cast %get3A_21 : vector<128xf32> to vector<1x128xf32>
    %mul3A = vector.broadcast %broadcast_in_dim3A_22 : vector<1x128xf32> to vector<10000x128xf32>
    %mul3A_23 = arith.mulf %add3A_19, %mul3A : vector<10000x128xf32>
    %div3A = arith.constant 1.00000501 : f32
    %div3A_24 = vector.broadcast %div3A : f32 to vector<10000x128xf32>
    %div3A_25 = arith.divf %mul3A_23, %div3A_24 : vector<10000x128xf32>
    %get3A_26 = arith.constant 0 : index
    %get3A_27 = vector.load %arg7[%get3A_26] : memref<128xf32, #tpu.memory_space<vmem>>, vector<128xf32>
    %broadcast_in_dim3A_28 = vector.shape_cast %get3A_27 : vector<128xf32> to vector<1x128xf32>
    %add3A_29 = vector.broadcast %broadcast_in_dim3A_28 : vector<1x128xf32> to vector<10000x128xf32>
    %add3A_30 = arith.addf %div3A_25, %add3A_29 : vector<10000x128xf32>
    %max3A = arith.constant 0.000000e+00 : f32
    %max3A_31 = vector.broadcast %max3A : f32 to vector<10000x128xf32>
    %max3A_32 = arith.maximumf %add3A_30, %max3A_31 : vector<10000x128xf32>
    %get3A_33 = arith.constant 1 : index
    %get3A_34 = arith.constant 0 : index
    %get3A_35 = arith.constant 0 : index
    %get3A_36 = vector.load %arg0[%get3A_33, %get3A_34, %get3A_35] : memref<2x10240x128xf32, #tpu.memory_space<vmem>>, vector<1x10000x128xf32>
    %get3A_37 = vector.shape_cast %get3A_36 : vector<1x10000x128xf32> to vector<10000x128xf32>
    %get3A_38 = arith.constant 0 : index
    %get3A_39 = arith.constant 0 : index
    %get3A_40 = vector.load %arg8[%get3A_38, %get3A_39] : memref<128x128xf32, #tpu.memory_space<vmem>>, vector<128x128xf32>
    %dot_general3A_41 = arith.constant dense<0.000000e+00> : vector<10000x128xf32>
    %dot_general3A_42 = tpu.matmul %get3A_37, %get3A_40, %dot_general3A_41 {dimension_numbers = #tpu.dot_dimension_numbers<[1], [0], [0], [1], [0, 0, 1, 1], [], []>, transpose_lhs_hint = false} : vector<10000x128xf32>, vector<128x128xf32>, vector<10000x128xf32> -> vector<10000x128xf32>
    %get3A_43 = arith.constant 0 : index
    %get3A_44 = arith.constant 0 : index
    %get3A_45 = vector.load %arg2[%get3A_43, %get3A_44] : memref<10000x128xf32, #tpu.memory_space<vmem>>, vector<10000x128xf32>
    %get3A_46 = arith.constant 0 : index
    %get3A_47 = arith.constant 0 : index
    %get3A_48 = vector.load %arg9[%get3A_46, %get3A_47] : memref<128x128xf32, #tpu.memory_space<vmem>>, vector<128x128xf32>
    %dot_general3A_49 = arith.constant dense<0.000000e+00> : vector<10000x128xf32>
    %dot_general3A_50 = tpu.matmul %get3A_45, %get3A_48, %dot_general3A_49 {dimension_numbers = #tpu.dot_dimension_numbers<[1], [0], [0], [1], [0, 0, 1, 1], [], []>, transpose_lhs_hint = false} : vector<10000x128xf32>, vector<128x128xf32>, vector<10000x128xf32> -> vector<10000x128xf32>
    %add3A_51 = arith.addf %dot_general3A_42, %dot_general3A_50 : vector<10000x128xf32>
    %get3A_52 = arith.constant 0 : index
    %get3A_53 = vector.load %arg10[%get3A_52] : memref<128xf32, #tpu.memory_space<vmem>>, vector<128xf32>
    %broadcast_in_dim3A_54 = vector.shape_cast %get3A_53 : vector<128xf32> to vector<1x128xf32>
    %add3A_55 = vector.broadcast %broadcast_in_dim3A_54 : vector<1x128xf32> to vector<10000x128xf32>
    %add3A_56 = arith.addf %add3A_51, %add3A_55 : vector<10000x128xf32>
    %get3A_57 = arith.constant 0 : index
    %get3A_58 = vector.load %arg11[%get3A_57] : memref<128xf32, #tpu.memory_space<vmem>>, vector<128xf32>
    %broadcast_in_dim3A_59 = vector.shape_cast %get3A_58 : vector<128xf32> to vector<1x128xf32>
    %mul3A_60 = vector.broadcast %broadcast_in_dim3A_59 : vector<1x128xf32> to vector<10000x128xf32>
    %mul3A_61 = arith.mulf %add3A_56, %mul3A_60 : vector<10000x128xf32>
    %div3A_62 = arith.constant 1.00000501 : f32
    %div3A_63 = vector.broadcast %div3A_62 : f32 to vector<10000x128xf32>
    %div3A_64 = arith.divf %mul3A_61, %div3A_63 : vector<10000x128xf32>
    %get3A_65 = arith.constant 0 : index
    %get3A_66 = vector.load %arg12[%get3A_65] : memref<128xf32, #tpu.memory_space<vmem>>, vector<128xf32>
    %broadcast_in_dim3A_67 = vector.shape_cast %get3A_66 : vector<128xf32> to vector<1x128xf32>
    %add3A_68 = vector.broadcast %broadcast_in_dim3A_67 : vector<1x128xf32> to vector<10000x128xf32>
    %add3A_69 = arith.addf %div3A_64, %add3A_68 : vector<10000x128xf32>
    %max3A_70 = arith.constant 0.000000e+00 : f32
    %max3A_71 = vector.broadcast %max3A_70 : f32 to vector<10000x128xf32>
    %max3A_72 = arith.maximumf %add3A_69, %max3A_71 : vector<10000x128xf32>
    %swap3A = arith.constant 0 : index
    %swap3A_73 = arith.constant 0 : index
    %swap3A_74 = vector.load %arg15[%swap3A, %swap3A_73] : memref<10000x128xf32, #tpu.memory_space<vmem>>, vector<10000x128xf32>
    tpu.vector_store %arg15[%swap3A, %swap3A_73], %max3A_32 {strides = array<i32>} : memref<10000x128xf32, #tpu.memory_space<vmem>>, vector<10000x128xf32>,
    %swap3A_75 = arith.constant 0 : index
    %swap3A_76 = arith.constant 0 : index
    %swap3A_77 = vector.load %arg16[%swap3A_75, %swap3A_76] : memref<10000x128xf32, #tpu.memory_space<vmem>>, vector<10000x128xf32>
    tpu.vector_store %arg16[%swap3A_75, %swap3A_76], %max3A_72 {strides = array<i32>} : memref<10000x128xf32, #tpu.memory_space<vmem>>, vector<10000x128xf32>,
    %get3A_78 = arith.constant 0 : index
    %get3A_79 = arith.constant 0 : index
    %get3A_80 = vector.load %arg13[%get3A_78, %get3A_79] : memref<128x1xf32, #tpu.memory_space<vmem>>, vector<128x1xf32>
    %dot_general3A_81 = arith.constant dense<0.000000e+00> : vector<10000x1xf32>
    %dot_general3A_82 = tpu.matmul %max3A_32, %get3A_80, %dot_general3A_81 {dimension_numbers = #tpu.dot_dimension_numbers<[1], [0], [0], [1], [0, 0, 1, 1], [], []>, transpose_lhs_hint = false} : vector<10000x128xf32>, vector<128x1xf32>, vector<10000x1xf32> -> vector<10000x1xf32>
    %get3A_83 = arith.constant 0 : index
    %get3A_84 = arith.constant 0 : index
    %get3A_85 = vector.load %arg14[%get3A_83, %get3A_84] : memref<128x1xf32, #tpu.memory_space<vmem>>, vector<128x1xf32>
    %dot_general3A_86 = arith.constant dense<0.000000e+00> : vector<10000x1xf32>
    %dot_general3A_87 = tpu.matmul %max3A_72, %get3A_85, %dot_general3A_86 {dimension_numbers = #tpu.dot_dimension_numbers<[1], [0], [0], [1], [0, 0, 1, 1], [], []>, transpose_lhs_hint = false} : vector<10000x128xf32>, vector<128x1xf32>, vector<10000x1xf32> -> vector<10000x1xf32>
    %add3A_88 = arith.addf %dot_general3A_82, %dot_general3A_87 : vector<10000x1xf32>
    %tanh3A = math.tanh %add3A_88 : vector<10000x1xf32>
    %swap3A_89 = arith.constant 0 : index
    %swap3A_90 = arith.constant 0 : index
    %swap3A_91 = vector.load %arg17[%swap3A_89, %swap3A_90] : memref<10000x1xf32, #tpu.memory_space<vmem>>, vector<10000x1xf32>
    tpu.vector_store %arg17[%swap3A_89, %swap3A_90], %tanh3A {strides = array<i32>} : memref<10000x1xf32, #tpu.memory_space<vmem>>, vector<10000x1xf32>,
    return
  }
}

module attributes {stable_mosaic.version = 14 : i64} {
  func.func @_zmask_body(%arg0: memref<10000x128xf32, #tpu.memory_space<vmem>>, %arg1: memref<10000x128xf32, #tpu.memory_space<vmem>>, %arg2: memref<10000x1xf32, #tpu.memory_space<vmem>>, %arg3: memref<10000x128xf32, #tpu.memory_space<vmem>>, %arg4: memref<10000x128xf32, #tpu.memory_space<vmem>>) attributes {dimension_semantics = [], scalar_prefetch = 0 : i64, scratch_operands = 0 : i64, tpu.core_type = #tpu.core_type<tc>} {
    %get3A = arith.constant 0 : index
    %get3A_0 = arith.constant 0 : index
    %get3A_1 = vector.load %arg2[%get3A, %get3A_0] : memref<10000x1xf32, #tpu.memory_space<vmem>>, vector<10000x1xf32>
    %get3A_2 = arith.constant 0 : index
    %get3A_3 = arith.constant 0 : index
    %get3A_4 = vector.load %arg0[%get3A_2, %get3A_3] : memref<10000x128xf32, #tpu.memory_space<vmem>>, vector<10000x128xf32>
    %mul3A = vector.broadcast %get3A_1 : vector<10000x1xf32> to vector<10000x128xf32>
    %mul3A_5 = arith.mulf %get3A_4, %mul3A : vector<10000x128xf32>
    %swap3A = arith.constant 0 : index
    %swap3A_6 = arith.constant 0 : index
    %swap3A_7 = vector.load %arg3[%swap3A, %swap3A_6] : memref<10000x128xf32, #tpu.memory_space<vmem>>, vector<10000x128xf32>
    tpu.vector_store %arg3[%swap3A, %swap3A_6], %mul3A_5 {strides = array<i32>} : memref<10000x128xf32, #tpu.memory_space<vmem>>, vector<10000x128xf32>,
    %get3A_8 = arith.constant 0 : index
    %get3A_9 = arith.constant 0 : index
    %get3A_10 = vector.load %arg1[%get3A_8, %get3A_9] : memref<10000x128xf32, #tpu.memory_space<vmem>>, vector<10000x128xf32>
    %mul3A_11 = vector.broadcast %get3A_1 : vector<10000x1xf32> to vector<10000x128xf32>
    %mul3A_12 = arith.mulf %get3A_10, %mul3A_11 : vector<10000x128xf32>
    %swap3A_13 = arith.constant 0 : index
    %swap3A_14 = arith.constant 0 : index
    %swap3A_15 = vector.load %arg4[%swap3A_13, %swap3A_14] : memref<10000x128xf32, #tpu.memory_space<vmem>>, vector<10000x128xf32>
    tpu.vector_store %arg4[%swap3A_13, %swap3A_14], %mul3A_12 {strides = array<i32>} : memref<10000x128xf32, #tpu.memory_space<vmem>>, vector<10000x128xf32>,
    return
  }
}

module attributes {stable_mosaic.version = 14 : i64} {
  func.func @_tcd_body(%arg0: memref<2x10240x128xf32, #tpu.memory_space<vmem>>, %arg1: memref<10000x128xf32, #tpu.memory_space<vmem>>, %arg2: memref<10000x128xf32, #tpu.memory_space<vmem>>, %arg3: memref<128x128xf32, #tpu.memory_space<vmem>>, %arg4: memref<128x128xf32, #tpu.memory_space<vmem>>, %arg5: memref<128xf32, #tpu.memory_space<vmem>>, %arg6: memref<128xf32, #tpu.memory_space<vmem>>, %arg7: memref<128xf32, #tpu.memory_space<vmem>>, %arg8: memref<128x128xf32, #tpu.memory_space<vmem>>, %arg9: memref<128x128xf32, #tpu.memory_space<vmem>>, %arg10: memref<128xf32, #tpu.memory_space<vmem>>, %arg11: memref<128xf32, #tpu.memory_space<vmem>>, %arg12: memref<128xf32, #tpu.memory_space<vmem>>, %arg13: memref<10000x1xf32, #tpu.memory_space<vmem>>, %arg14: memref<512xf32, #tpu.memory_space<vmem>>, %arg15: memref<512xf32, #tpu.memory_space<vmem>>, %arg16: memref<512x10xf32, #tpu.memory_space<vmem>>, %arg17: memref<10xf32, #tpu.memory_space<vmem>>, %arg18: memref<1x10xf32, #tpu.memory_space<vmem>>) attributes {dimension_semantics = [], scalar_prefetch = 0 : i64, scratch_operands = 0 : i64, tpu.core_type = #tpu.core_type<tc>} {
    %get3A = arith.constant 0 : index
    %get3A_0 = arith.constant 0 : index
    %get3A_1 = vector.load %arg13[%get3A, %get3A_0] : memref<10000x1xf32, #tpu.memory_space<vmem>>, vector<10000x1xf32>
    %get3A_2 = arith.constant 0 : index
    %get3A_3 = arith.constant 0 : index
    %get3A_4 = arith.constant 0 : index
    %get3A_5 = vector.load %arg0[%get3A_2, %get3A_3, %get3A_4] : memref<2x10240x128xf32, #tpu.memory_space<vmem>>, vector<1x10000x128xf32>
    %get3A_6 = vector.shape_cast %get3A_5 : vector<1x10000x128xf32> to vector<10000x128xf32>
    %get3A_7 = arith.constant 0 : index
    %get3A_8 = arith.constant 0 : index
    %get3A_9 = vector.load %arg3[%get3A_7, %get3A_8] : memref<128x128xf32, #tpu.memory_space<vmem>>, vector<128x128xf32>
    %dot_general3A = arith.constant dense<0.000000e+00> : vector<10000x128xf32>
    %dot_general3A_10 = tpu.matmul %get3A_6, %get3A_9, %dot_general3A {dimension_numbers = #tpu.dot_dimension_numbers<[1], [0], [0], [1], [0, 0, 1, 1], [], []>, transpose_lhs_hint = false} : vector<10000x128xf32>, vector<128x128xf32>, vector<10000x128xf32> -> vector<10000x128xf32>
    %get3A_11 = arith.constant 0 : index
    %get3A_12 = arith.constant 0 : index
    %get3A_13 = vector.load %arg1[%get3A_11, %get3A_12] : memref<10000x128xf32, #tpu.memory_space<vmem>>, vector<10000x128xf32>
    %get3A_14 = arith.constant 0 : index
    %get3A_15 = arith.constant 0 : index
    %get3A_16 = vector.load %arg4[%get3A_14, %get3A_15] : memref<128x128xf32, #tpu.memory_space<vmem>>, vector<128x128xf32>
    %dot_general3A_17 = arith.constant dense<0.000000e+00> : vector<10000x128xf32>
    %dot_general3A_18 = tpu.matmul %get3A_13, %get3A_16, %dot_general3A_17 {dimension_numbers = #tpu.dot_dimension_numbers<[1], [0], [0], [1], [0, 0, 1, 1], [], []>, transpose_lhs_hint = false} : vector<10000x128xf32>, vector<128x128xf32>, vector<10000x128xf32> -> vector<10000x128xf32>
    %add3A = arith.addf %dot_general3A_10, %dot_general3A_18 : vector<10000x128xf32>
    %get3A_19 = arith.constant 0 : index
    %get3A_20 = vector.load %arg5[%get3A_19] : memref<128xf32, #tpu.memory_space<vmem>>, vector<128xf32>
    %broadcast_in_dim3A = vector.shape_cast %get3A_20 : vector<128xf32> to vector<1x128xf32>
    %add3A_21 = vector.broadcast %broadcast_in_dim3A : vector<1x128xf32> to vector<10000x128xf32>
    %add3A_22 = arith.addf %add3A, %add3A_21 : vector<10000x128xf32>
    %get3A_23 = arith.constant 0 : index
    %get3A_24 = vector.load %arg6[%get3A_23] : memref<128xf32, #tpu.memory_space<vmem>>, vector<128xf32>
    %broadcast_in_dim3A_25 = vector.shape_cast %get3A_24 : vector<128xf32> to vector<1x128xf32>
    %mul3A = vector.broadcast %broadcast_in_dim3A_25 : vector<1x128xf32> to vector<10000x128xf32>
    %mul3A_26 = arith.mulf %add3A_22, %mul3A : vector<10000x128xf32>
    %div3A = arith.constant 1.00000501 : f32
    %div3A_27 = vector.broadcast %div3A : f32 to vector<10000x128xf32>
    %div3A_28 = arith.divf %mul3A_26, %div3A_27 : vector<10000x128xf32>
    %get3A_29 = arith.constant 0 : index
    %get3A_30 = vector.load %arg7[%get3A_29] : memref<128xf32, #tpu.memory_space<vmem>>, vector<128xf32>
    %broadcast_in_dim3A_31 = vector.shape_cast %get3A_30 : vector<128xf32> to vector<1x128xf32>
    %add3A_32 = vector.broadcast %broadcast_in_dim3A_31 : vector<1x128xf32> to vector<10000x128xf32>
    %add3A_33 = arith.addf %div3A_28, %add3A_32 : vector<10000x128xf32>
    %max3A = arith.constant 0.000000e+00 : f32
    %max3A_34 = vector.broadcast %max3A : f32 to vector<10000x128xf32>
    %max3A_35 = arith.maximumf %add3A_33, %max3A_34 : vector<10000x128xf32>
    %mul3A_36 = vector.broadcast %get3A_1 : vector<10000x1xf32> to vector<10000x128xf32>
    %mul3A_37 = arith.mulf %max3A_35, %mul3A_36 : vector<10000x128xf32>
    %get3A_38 = arith.constant 1 : index
    %get3A_39 = arith.constant 0 : index
    %get3A_40 = arith.constant 0 : index
    %get3A_41 = vector.load %arg0[%get3A_38, %get3A_39, %get3A_40] : memref<2x10240x128xf32, #tpu.memory_space<vmem>>, vector<1x10000x128xf32>
    %get3A_42 = vector.shape_cast %get3A_41 : vector<1x10000x128xf32> to vector<10000x128xf32>
    %get3A_43 = arith.constant 0 : index
    %get3A_44 = arith.constant 0 : index
    %get3A_45 = vector.load %arg8[%get3A_43, %get3A_44] : memref<128x128xf32, #tpu.memory_space<vmem>>, vector<128x128xf32>
    %dot_general3A_46 = arith.constant dense<0.000000e+00> : vector<10000x128xf32>
    %dot_general3A_47 = tpu.matmul %get3A_42, %get3A_45, %dot_general3A_46 {dimension_numbers = #tpu.dot_dimension_numbers<[1], [0], [0], [1], [0, 0, 1, 1], [], []>, transpose_lhs_hint = false} : vector<10000x128xf32>, vector<128x128xf32>, vector<10000x128xf32> -> vector<10000x128xf32>
    %get3A_48 = arith.constant 0 : index
    %get3A_49 = arith.constant 0 : index
    %get3A_50 = vector.load %arg2[%get3A_48, %get3A_49] : memref<10000x128xf32, #tpu.memory_space<vmem>>, vector<10000x128xf32>
    %get3A_51 = arith.constant 0 : index
    %get3A_52 = arith.constant 0 : index
    %get3A_53 = vector.load %arg9[%get3A_51, %get3A_52] : memref<128x128xf32, #tpu.memory_space<vmem>>, vector<128x128xf32>
    %dot_general3A_54 = arith.constant dense<0.000000e+00> : vector<10000x128xf32>
    %dot_general3A_55 = tpu.matmul %get3A_50, %get3A_53, %dot_general3A_54 {dimension_numbers = #tpu.dot_dimension_numbers<[1], [0], [0], [1], [0, 0, 1, 1], [], []>, transpose_lhs_hint = false} : vector<10000x128xf32>, vector<128x128xf32>, vector<10000x128xf32> -> vector<10000x128xf32>
    %add3A_56 = arith.addf %dot_general3A_47, %dot_general3A_55 : vector<10000x128xf32>
    %get3A_57 = arith.constant 0 : index
    %get3A_58 = vector.load %arg10[%get3A_57] : memref<128xf32, #tpu.memory_space<vmem>>, vector<128xf32>
    %broadcast_in_dim3A_59 = vector.shape_cast %get3A_58 : vector<128xf32> to vector<1x128xf32>
    %add3A_60 = vector.broadcast %broadcast_in_dim3A_59 : vector<1x128xf32> to vector<10000x128xf32>
    %add3A_61 = arith.addf %add3A_56, %add3A_60 : vector<10000x128xf32>
    %get3A_62 = arith.constant 0 : index
    %get3A_63 = vector.load %arg11[%get3A_62] : memref<128xf32, #tpu.memory_space<vmem>>, vector<128xf32>
    %broadcast_in_dim3A_64 = vector.shape_cast %get3A_63 : vector<128xf32> to vector<1x128xf32>
    %mul3A_65 = vector.broadcast %broadcast_in_dim3A_64 : vector<1x128xf32> to vector<10000x128xf32>
    %mul3A_66 = arith.mulf %add3A_61, %mul3A_65 : vector<10000x128xf32>
    %div3A_67 = arith.constant 1.00000501 : f32
    %div3A_68 = vector.broadcast %div3A_67 : f32 to vector<10000x128xf32>
    %div3A_69 = arith.divf %mul3A_66, %div3A_68 : vector<10000x128xf32>
    %get3A_70 = arith.constant 0 : index
    %get3A_71 = vector.load %arg12[%get3A_70] : memref<128xf32, #tpu.memory_space<vmem>>, vector<128xf32>
    %broadcast_in_dim3A_72 = vector.shape_cast %get3A_71 : vector<128xf32> to vector<1x128xf32>
    %add3A_73 = vector.broadcast %broadcast_in_dim3A_72 : vector<1x128xf32> to vector<10000x128xf32>
    %add3A_74 = arith.addf %div3A_69, %add3A_73 : vector<10000x128xf32>
    %max3A_75 = arith.constant 0.000000e+00 : f32
    %max3A_76 = vector.broadcast %max3A_75 : f32 to vector<10000x128xf32>
    %max3A_77 = arith.maximumf %add3A_74, %max3A_76 : vector<10000x128xf32>
    %mul3A_78 = vector.broadcast %get3A_1 : vector<10000x1xf32> to vector<10000x128xf32>
    %mul3A_79 = arith.mulf %max3A_77, %mul3A_78 : vector<10000x128xf32>
    %reduce_max3A = arith.constant dense<0xFF800000> : vector<128xf32>
    %reduce_max3A_80 = vector.multi_reduction <maximumf>, %mul3A_37, %reduce_max3A [0] : vector<10000x128xf32> to vector<128xf32>
    %broadcast_in_dim3A_81 = vector.shape_cast %reduce_max3A_80 : vector<128xf32> to vector<1x128xf32>
    %reduce_sum3A = arith.constant dense<0.000000e+00> : vector<128xf32>
    %reduce_sum3A_82 = vector.multi_reduction <add>, %mul3A_37, %reduce_sum3A [0] : vector<10000x128xf32> to vector<128xf32>
    %broadcast_in_dim3A_83 = vector.shape_cast %reduce_sum3A_82 : vector<128xf32> to vector<1x128xf32>
    %mul3A_84 = arith.constant 1.250000e-04 : f32
    %mul3A_85 = vector.broadcast %mul3A_84 : f32 to vector<1x128xf32>
    %mul3A_86 = arith.mulf %broadcast_in_dim3A_83, %mul3A_85 : vector<1x128xf32>
    %reduce_max3A_87 = arith.constant dense<0xFF800000> : vector<128xf32>
    %reduce_max3A_88 = vector.multi_reduction <maximumf>, %mul3A_79, %reduce_max3A_87 [0] : vector<10000x128xf32> to vector<128xf32>
    %broadcast_in_dim3A_89 = vector.shape_cast %reduce_max3A_88 : vector<128xf32> to vector<1x128xf32>
    %reduce_sum3A_90 = arith.constant dense<0.000000e+00> : vector<128xf32>
    %reduce_sum3A_91 = vector.multi_reduction <add>, %mul3A_79, %reduce_sum3A_90 [0] : vector<10000x128xf32> to vector<128xf32>
    %broadcast_in_dim3A_92 = vector.shape_cast %reduce_sum3A_91 : vector<128xf32> to vector<1x128xf32>
    %mul3A_93 = arith.constant 1.250000e-04 : f32
    %mul3A_94 = vector.broadcast %mul3A_93 : f32 to vector<1x128xf32>
    %mul3A_95 = arith.mulf %broadcast_in_dim3A_92, %mul3A_94 : vector<1x128xf32>
    %get3A_96 = arith.constant 0 : index
    %get3A_97 = vector.load %arg17[%get3A_96] : memref<10xf32, #tpu.memory_space<vmem>>, vector<10xf32>
    %broadcast_in_dim3A_98 = vector.shape_cast %get3A_97 : vector<10xf32> to vector<1x10xf32>
    %get3A_99 = arith.constant 0 : index
    %get3A_100 = vector.load %arg14[%get3A_99] : memref<512xf32, #tpu.memory_space<vmem>>, vector<128xf32>
    %get3A_101 = arith.constant 0 : index
    %get3A_102 = vector.load %arg15[%get3A_101] : memref<512xf32, #tpu.memory_space<vmem>>, vector<128xf32>
    %broadcast_in_dim3A_103 = vector.shape_cast %get3A_100 : vector<128xf32> to vector<1x128xf32>
    %mul3A_104 = arith.mulf %broadcast_in_dim3A_81, %broadcast_in_dim3A_103 : vector<1x128xf32>
    %div3A_105 = arith.constant 1.00000501 : f32
    %div3A_106 = vector.broadcast %div3A_105 : f32 to vector<1x128xf32>
    %div3A_107 = arith.divf %mul3A_104, %div3A_106 : vector<1x128xf32>
    %broadcast_in_dim3A_108 = vector.shape_cast %get3A_102 : vector<128xf32> to vector<1x128xf32>
    %add3A_109 = arith.addf %div3A_107, %broadcast_in_dim3A_108 : vector<1x128xf32>
    %get3A_110 = arith.constant 0 : index
    %get3A_111 = arith.constant 0 : index
    %get3A_112 = vector.load %arg16[%get3A_110, %get3A_111] : memref<512x10xf32, #tpu.memory_space<vmem>>, vector<128x10xf32>
    %dot_general3A_113 = arith.constant dense<0.000000e+00> : vector<1x10xf32>
    %dot_general3A_114 = tpu.matmul %add3A_109, %get3A_112, %dot_general3A_113 {dimension_numbers = #tpu.dot_dimension_numbers<[1], [0], [0], [1], [0, 0, 1, 1], [], []>, transpose_lhs_hint = false} : vector<1x128xf32>, vector<128x10xf32>, vector<1x10xf32> -> vector<1x10xf32>
    %add3A_115 = arith.addf %broadcast_in_dim3A_98, %dot_general3A_114 : vector<1x10xf32>
    %get3A_116 = arith.constant 128 : index
    %get3A_117 = vector.load %arg14[%get3A_116] : memref<512xf32, #tpu.memory_space<vmem>>, vector<128xf32>
    %get3A_118 = arith.constant 128 : index
    %get3A_119 = vector.load %arg15[%get3A_118] : memref<512xf32, #tpu.memory_space<vmem>>, vector<128xf32>
    %broadcast_in_dim3A_120 = vector.shape_cast %get3A_117 : vector<128xf32> to vector<1x128xf32>
    %mul3A_121 = arith.mulf %mul3A_86, %broadcast_in_dim3A_120 : vector<1x128xf32>
    %div3A_122 = arith.constant 1.00000501 : f32
    %div3A_123 = vector.broadcast %div3A_122 : f32 to vector<1x128xf32>
    %div3A_124 = arith.divf %mul3A_121, %div3A_123 : vector<1x128xf32>
    %broadcast_in_dim3A_125 = vector.shape_cast %get3A_119 : vector<128xf32> to vector<1x128xf32>
    %add3A_126 = arith.addf %div3A_124, %broadcast_in_dim3A_125 : vector<1x128xf32>
    %get3A_127 = arith.constant 128 : index
    %get3A_128 = arith.constant 0 : index
    %get3A_129 = vector.load %arg16[%get3A_127, %get3A_128] : memref<512x10xf32, #tpu.memory_space<vmem>>, vector<128x10xf32>
    %dot_general3A_130 = arith.constant dense<0.000000e+00> : vector<1x10xf32>
    %dot_general3A_131 = tpu.matmul %add3A_126, %get3A_129, %dot_general3A_130 {dimension_numbers = #tpu.dot_dimension_numbers<[1], [0], [0], [1], [0, 0, 1, 1], [], []>, transpose_lhs_hint = false} : vector<1x128xf32>, vector<128x10xf32>, vector<1x10xf32> -> vector<1x10xf32>
    %add3A_132 = arith.addf %add3A_115, %dot_general3A_131 : vector<1x10xf32>
    %get3A_133 = arith.constant 256 : index
    %get3A_134 = vector.load %arg14[%get3A_133] : memref<512xf32, #tpu.memory_space<vmem>>, vector<128xf32>
    %get3A_135 = arith.constant 256 : index
    %get3A_136 = vector.load %arg15[%get3A_135] : memref<512xf32, #tpu.memory_space<vmem>>, vector<128xf32>
    %broadcast_in_dim3A_137 = vector.shape_cast %get3A_134 : vector<128xf32> to vector<1x128xf32>
    %mul3A_138 = arith.mulf %broadcast_in_dim3A_89, %broadcast_in_dim3A_137 : vector<1x128xf32>
    %div3A_139 = arith.constant 1.00000501 : f32
    %div3A_140 = vector.broadcast %div3A_139 : f32 to vector<1x128xf32>
    %div3A_141 = arith.divf %mul3A_138, %div3A_140 : vector<1x128xf32>
    %broadcast_in_dim3A_142 = vector.shape_cast %get3A_136 : vector<128xf32> to vector<1x128xf32>
    %add3A_143 = arith.addf %div3A_141, %broadcast_in_dim3A_142 : vector<1x128xf32>
    %get3A_144 = arith.constant 256 : index
    %get3A_145 = arith.constant 0 : index
    %get3A_146 = vector.load %arg16[%get3A_144, %get3A_145] : memref<512x10xf32, #tpu.memory_space<vmem>>, vector<128x10xf32>
    %dot_general3A_147 = arith.constant dense<0.000000e+00> : vector<1x10xf32>
    %dot_general3A_148 = tpu.matmul %add3A_143, %get3A_146, %dot_general3A_147 {dimension_numbers = #tpu.dot_dimension_numbers<[1], [0], [0], [1], [0, 0, 1, 1], [], []>, transpose_lhs_hint = false} : vector<1x128xf32>, vector<128x10xf32>, vector<1x10xf32> -> vector<1x10xf32>
    %add3A_149 = arith.addf %add3A_132, %dot_general3A_148 : vector<1x10xf32>
    %get3A_150 = arith.constant 384 : index
    %get3A_151 = vector.load %arg14[%get3A_150] : memref<512xf32, #tpu.memory_space<vmem>>, vector<128xf32>
    %get3A_152 = arith.constant 384 : index
    %get3A_153 = vector.load %arg15[%get3A_152] : memref<512xf32, #tpu.memory_space<vmem>>, vector<128xf32>
    %broadcast_in_dim3A_154 = vector.shape_cast %get3A_151 : vector<128xf32> to vector<1x128xf32>
    %mul3A_155 = arith.mulf %mul3A_95, %broadcast_in_dim3A_154 : vector<1x128xf32>
    %div3A_156 = arith.constant 1.00000501 : f32
    %div3A_157 = vector.broadcast %div3A_156 : f32 to vector<1x128xf32>
    %div3A_158 = arith.divf %mul3A_155, %div3A_157 : vector<1x128xf32>
    %broadcast_in_dim3A_159 = vector.shape_cast %get3A_153 : vector<128xf32> to vector<1x128xf32>
    %add3A_160 = arith.addf %div3A_158, %broadcast_in_dim3A_159 : vector<1x128xf32>
    %get3A_161 = arith.constant 384 : index
    %get3A_162 = arith.constant 0 : index
    %get3A_163 = vector.load %arg16[%get3A_161, %get3A_162] : memref<512x10xf32, #tpu.memory_space<vmem>>, vector<128x10xf32>
    %dot_general3A_164 = arith.constant dense<0.000000e+00> : vector<1x10xf32>
    %dot_general3A_165 = tpu.matmul %add3A_160, %get3A_163, %dot_general3A_164 {dimension_numbers = #tpu.dot_dimension_numbers<[1], [0], [0], [1], [0, 0, 1, 1], [], []>, transpose_lhs_hint = false} : vector<1x128xf32>, vector<128x10xf32>, vector<1x10xf32> -> vector<1x10xf32>
    %add3A_166 = arith.addf %add3A_149, %dot_general3A_165 : vector<1x10xf32>
    %reduce_max3A_167 = arith.constant dense<0xFF800000> : vector<1xf32>
    %reduce_max3A_168 = vector.multi_reduction <maximumf>, %add3A_166, %reduce_max3A_167 [1] : vector<1x10xf32> to vector<1xf32>
    %broadcast_in_dim3A_169 = vector.shape_cast %reduce_max3A_168 : vector<1xf32> to vector<1x1xf32>
    %sub3A = vector.broadcast %broadcast_in_dim3A_169 : vector<1x1xf32> to vector<1x10xf32>
    %sub3A_170 = arith.subf %add3A_166, %sub3A : vector<1x10xf32>
    %exp3A = math.exp %sub3A_170 : vector<1x10xf32>
    %reduce_sum3A_171 = arith.constant dense<0.000000e+00> : vector<1xf32>
    %reduce_sum3A_172 = vector.multi_reduction <add>, %exp3A, %reduce_sum3A_171 [1] : vector<1x10xf32> to vector<1xf32>
    %broadcast_in_dim3A_173 = vector.shape_cast %reduce_sum3A_172 : vector<1xf32> to vector<1x1xf32>
    %div3A_174 = vector.broadcast %broadcast_in_dim3A_173 : vector<1x1xf32> to vector<1x10xf32>
    %div3A_175 = arith.divf %exp3A, %div3A_174 : vector<1x10xf32>
    %swap3A = arith.constant 0 : index
    %swap3A_176 = arith.constant 0 : index
    %swap3A_177 = vector.load %arg18[%swap3A, %swap3A_176] : memref<1x10xf32, #tpu.memory_space<vmem>>, vector<1x10xf32>
    tpu.vector_store %arg18[%swap3A, %swap3A_176], %div3A_175 {strides = array<i32>} : memref<1x10xf32, #tpu.memory_space<vmem>>, vector<1x10xf32>,
    return
  }
}

</mosaic_0001>

<sc_bundles>
// kernel: kernel.10.cloned.1.call-start
scs
__scs_entry_jumppad:
0x0: {  	(pc) =	sbr.rel $0x88, $3  }
0x1: {  	(tag) =	ssettag $0x0;
	lr =	simm.s32 $0x1  }
0x2: {  	[smem:$0x3F83] =	sst lr;
	_ =	strace $0xD0000000  }
0x3: {  	_ = 	snop  }
0x4: {  	_ = 	snop  }
0x5: {  	_ = 	snop  }
0x6: {  	_ = 	snop  }
0x7: {  	_ = 	snop  }
__scs_overlays_trampoline_lowered:
0x8: {  	[smem:$0x3F92] =	sst s0  }
0x9: {  	[smem:$0x3F93] =	sst s1  }
0xa: {  	[smem:$0x3F94] =	sst s2  }
0xb: {  	[smem:$0x3F95] =	sst s3  }
0xc: {  	[smem:$0x3F96] =	sst s4  }
0xd: {  	[smem:$0x3F97] =	sst s5  }
0xe: {  	[smem:$0x3F98] =	sst s6  }
0xf: {  	[smem:$0x3F99] =	sst s7  }
0x10: {  	[smem:$0x3F9A] =	sst s8  }
0x11: {  	[smem:$0x3F9B] =	sst s9;
	s0 =	simm.s32 @!p0 $0x0  }
0x12: {  	s1 =	sld [smem:$0x3F81];
	s0 =	simm.s32 @p0 $0x1  }
0x13: {  	[smem:$0x3F9C] =	sst s0;
	s0 =	simm.s32 @!p1 $0x0  }
0x14: {  	s2 =	sld [smem:$0x3F80];
	s0 =	simm.s32 @p1 $0x1  }
0x15: {  	[smem:$0x3F9D] =	sst s0;
	s0 =	simm.s32 @!p2 $0x0  }
0x16: {  	s3 =	sld [smem:$0x3FDB];
	s0 =	simm.s32 @p2 $0x1  }
0x17: {  	s4 =	simm.s32 $0x1BF5;
	[smem:$0x3F9F] =	sst s0  }
0x18: {  	s0 =	sld [smem:$0x3F82];
	_ =	swait.ge [sflag:s4], $0x0  }
0x19: {  	s7 =	sld [smem:$0x3F83]  }
0x1a: {  	s8 =	sadd.s32 $0xFFFFE003, lr  }
0x1b: {  	s9 =	sadd.s32 $0xFFFFFEF7, lr;
	s5 =	simm.s32 $0xFFFFFFFF;
	p2 =	slt.u32 s8, $0xFFFFF086  }
0x1c: {  	p1 =	slt.u32 s9, $0xF7A;
	s5 =	simm.s32 @!p2 $0x0  }
0x1d: {  	s5 =	simm.s32 @p1 $0x1;
	p0 =	seq.s32 s7, s2  }
0x1e: {  	s7 =	smul.u32 @!p0 $0xF7A, s2;
	p2 =	seq.s32 @!p0 s5, $0x0  }
0x1f: {  	s9 =	smul.u32 $0xF7A, s1;
	s8 =	simm.s32 @!p0 $0x1BF5;
	p2 =	por !p2, p0  }
0x20: {  	[sflag:s8] =	ssyncset.s32 @!p0 $0xFFFFF086;
	s6 =	sadd.s32 @!p0 s3, s7;
	s7 =	simm.s32 @!p0 $0x108  }
0x21: {  	s3 =	sadd.s32 s3, s9;
	s6 =	sadd.s32 @!p0 $0x88, s6;
	s7 =	simm.s32 @p2 $0x1082  }
0x22: {  	[simem:s7], [sflag:s8] =	dma.local @!p0 [hbm:s6], $0xF7A  }
0x23: {  	s9 =	sor.u32 $0xD0000000, s2;
	s6 =	simm.s32 $0x108;
	_ =	swait.ge @!p0 [sflag:s8], $0x0  }
0x24: {  	s3 =	sadd.s32 $0x88, s3;
	s6 =	simm.s32 @!p1 $0x1082;
	[sflag:s4] =	ssyncset.s32 $0xFFFFF086  }
0x25: {  	[simem:s6], [sflag:s4] =	dma.local [hbm:s3], $0xF7A  }
0x26: {  	[smem:$0x3F83] =	sst s1;
	(tag) =	ssettag s2;
	_ =	strace s9  }
0x27: {  	s1 =	sld [smem:$0x3F93]  }
0x28: {  	s2 =	sld [smem:$0x3F94]  }
0x29: {  	s4 =	sld [smem:$0x3F96]  }
0x2a: {  	p0 =	seq.s32 s5, $0x0;
	s5 =	sld [smem:$0x3F97]  }
0x2b: {  	s6 =	sld [smem:$0x3F98]  }
0x2c: {  	s7 =	sld [smem:$0x3F99]  }
0x2d: {  	s3 =	simm.s32 $0x108;
	s8 =	sld [smem:$0x3F9A]  }
0x2e: {  	s3 =	simm.s32 @!p0 $0x1082;
	s9 =	sld [smem:$0x3F9B]  }
0x2f: {  	lr =	sadd.s32 s0, s3;
	s0 =	sld [smem:$0x3F92]  }
0x30: {  	s3 =	sld [smem:$0x3F95]  }
0x31: {  	[smem:$0x3F9E] =	sst s10  }
0x32: {  	s10 =	sld [smem:$0x3F9C];
	_ =	sdelay $0x3  }
0x33: {  	p0 =	seq.s32 s10, $0x1;
	s10 =	sld [smem:$0x3F9E];
	_ =	sdelay $0x3  }
0x34: {  	[smem:$0x3F9E] =	sst s10  }
0x35: {  	s10 =	sld [smem:$0x3F9D];
	_ =	sdelay $0x3  }
0x36: {  	p1 =	seq.s32 s10, $0x1;
	s10 =	sld [smem:$0x3F9E];
	_ =	sdelay $0x3  }
0x37: {  	[smem:$0x3F9E] =	sst s10  }
0x38: {  	s10 =	sld [smem:$0x3F9F]  }
0x39: {  	_ = 	snop;
	(pc) =	sbr.ind lr, $3  }
0x3a: {  	_ = 	snop  }
0x3b: {  	_ = 	snop  }
0x3c: {  	p2 =	seq.s32 s10, $0x1;
	s10 =	sld [smem:$0x3F9E]  }
0x3d: {  	_ =	shalt  }
0x3e: {  	_ =	shalt  }
0x3f: {  	_ =	shalt  }
0x40: {  	_ =	shalt  }
0x41: {  	_ =	shalt  }
0x42: {  	_ =	shalt  }
0x43: {  	_ =	shalt  }
0x44: {  	_ =	shalt  }
0x45: {  	_ =	shalt  }
0x46: {  	_ =	shalt  }
0x47: {  	_ =	shalt  }
0x48: {  	_ =	shalt  }
0x49: {  	_ =	shalt  }
0x4a: {  	_ =	shalt  }
0x4b: {  	_ =	shalt  }
0x4c: {  	_ =	shalt  }
0x4d: {  	_ =	shalt  }
0x4e: {  	_ =	shalt  }
0x4f: {  	_ =	shalt  }
0x50: {  	_ =	shalt  }
0x51: {  	_ =	shalt  }
0x52: {  	_ =	shalt  }
0x53: {  	_ =	shalt  }
0x54: {  	_ =	shalt  }
0x55: {  	_ =	shalt  }
0x56: {  	_ =	shalt  }
0x57: {  	_ =	shalt  }
0x58: {  	_ =	shalt  }
0x59: {  	_ =	shalt  }
0x5a: {  	_ =	shalt  }
0x5b: {  	_ =	shalt  }
0x5c: {  	_ =	shalt  }
0x5d: {  	_ =	shalt  }
0x5e: {  	_ =	shalt  }
0x5f: {  	_ =	shalt  }
0x60: {  	_ =	shalt  }
0x61: {  	_ =	shalt  }
0x62: {  	_ =	shalt  }
0x63: {  	_ =	shalt  }
0x64: {  	_ =	shalt  }
0x65: {  	_ =	shalt  }
0x66: {  	_ =	shalt  }
0x67: {  	_ =	shalt  }
0x68: {  	_ =	shalt  }
0x69: {  	_ =	shalt  }
0x6a: {  	_ =	shalt  }
0x6b: {  	_ =	shalt  }
0x6c: {  	_ =	shalt  }
0x6d: {  	_ =	shalt  }
0x6e: {  	_ =	shalt  }
0x6f: {  	_ =	shalt  }
0x70: {  	_ =	shalt  }
0x71: {  	_ =	shalt  }
0x72: {  	_ =	shalt  }
0x73: {  	_ =	shalt  }
0x74: {  	_ =	shalt  }
0x75: {  	_ =	shalt  }
0x76: {  	_ =	shalt  }
0x77: {  	_ =	shalt  }
0x78: {  	_ =	shalt  }
0x79: {  	_ =	shalt  }
0x7a: {  	_ =	shalt  }
0x7b: {  	_ =	shalt  }
0x7c: {  	_ =	shalt  }
0x7d: {  	_ =	shalt  }
0x7e: {  	_ =	shalt  }
0x7f: {  	_ =	shalt  }
0x80: {  	_ =	shalt  }
0x81: {  	_ =	shalt  }
0x82: {  	_ =	shalt  }
0x83: {  	_ =	shalt  }
0x84: {  	_ =	shalt  }
0x85: {  	_ =	shalt  }
0x86: {  	_ =	shalt  }
0x87: {  	_ =	shalt  }
.Lfunc_end0:
.L_simem_size_0:
called_computation.1_lowered:
.L_overlay_start_0:
0x88: {  	s2 =	sld [smem:$0x3FD9]  }
0x89: {  	s3 =	sld [smem:$0x3FFE];
	_ =	sdelay $0x1  }
0x8a: {  	s1 =	srdreg.scid  }
0x8b: {  	s0 =	sand.u32 $0x1, s1  }
0x8c: {  	s16 =	sshll.u32 s0, $0xA;
	s2 =	sadd.s32 s3, s2  }
0x8d: {  	s2 =	sadd.s32 s2, s16  }
0x8e: {  	[smem:$0x3FAA] =	sst s2  }
0x8f: {  	_ = 	snop  }
0x90: {  	(tm) =	ssettm $0x1  }
0x91: {  	s17 =	sld [smem:$0x3FFB];
	_ =	sdelay $0x3  }
0x92: {  	_ =	strace s17  }
0x93: {  	s2 =	sld [smem:$0x3FFC];
	_ =	sdelay $0x3  }
0x94: {  	_ =	strace s2  }
0x95: {  	s2 =	sld [smem:$0x3FFD];
	_ =	sdelay $0x3  }
0x96: {  	_ =	strace s2  }
0x97: {  	_ =	strace $0x8FFFFFFF  }
0x98: {  	s18 =	sld [smem:$0x3FDB];
	_ =	sdelay $0x1  }
0x99: {  	s19 =	simm.s32 $_scs_section_size  }
0x9a: {  	s4 =	simm.s32 $_size__tile_overlayer_lowered;
	s5 =	simm.s32 $_tile_overlayer_lowered  }
0x9b: {  	s22 =	simm.s32 $0x1BFF;
	s21 =	sshll.u32 s5, $0x1;
	s2 =	sadd.s32 s19, s18  }
0x9c: {  	s6 =	simm.s32 $0x0;
	s20 =	sshll.u32 s4, $0x1;
	s4 =	sadd.s32 s21, s2  }
0x9d: {  	[timem:s6], [sflag:s22] =	dma.local [hbm:s4], s20  }
0x9e: {  	_ =	swait.ge [sflag:s22], s20  }
0x9f: {  	s3 =	ssub.s32 $0x0, s20;
	[sflag:s22] =	ssyncset.done $0x0  }
0xa0: {  	[sflag:s22] =	ssyncadd.s32 s3;
	_ =	sdelay $0x1  }
0xa1: {  	s23 =	simm.s32 $0x1B8B  }
0xa2: {  	_ =	swait.ge [sflag:s23], $0x1  }
0xa3: {  	[sflag:s23] =	ssyncset.done $0x0  }
0xa4: {  	s25 =	simm.s32 $0x1B8E;
	s24 =	sld [smem:$0x3FFE];
	[sflag:s23] =	ssyncadd.s32 $0xFFFFFFFF  }
0xa5: {  	s26 =	simm.s32 $execute0_lowered;
	[smem:$0x3FD2] =	sst s25  }
0xa6: {  	s4 =	sshll.u32 s26, $0x1;
	_ =	strace $0x80000049;
	[dreg:$0x1] =	wrdreg $0xFFFFFFFF  }
0xa7: {  	s28 =	simm.s32 $_size_execute0_lowered;
	s2 =	sadd.s32 s2, s4;
	[dreg:$0x0] =	wrdreg $0x0  }
0xa8: {  	s4 =	sshll.u32 s28, $0x1;
	[dreg:$0x2] =	wrdreg s2  }
0xa9: {  	[dreg:$0x3] =	wrdreg s4  }
0xaa: {  	[dreg:$0x4] =	wrdreg $0xC0  }
0xab: {  	_ =	task [dreg:s6], $0x5FFFF  }
0xac: {  	[dreg:$0x1] =	wrdreg $0xFFFFFFFF  }
0xad: {  	[dreg:$0x0] =	wrdreg $0x60  }
0xae: {  	[dreg:$0x2] =	wrdreg s24  }
0xaf: {  	[dreg:$0x3] =	wrdreg $0x82000  }
0xb0: {  	[dreg:$0x4] =	wrdreg $0x9  }
0xb1: {  	_ =	task.clear_ibuf [dreg:s6], $0x5FFFF;
	_ =	strace $0x90000049  }
0xb2: {  	s29 =	simm.s32 $0x9;
	_ =	strace $0x8000004B  }
0xb3: {  	_ =	swait.ge [sflag:s29], $0x1  }
0xb4: {  	[sflag:s29] =	ssyncadd.s32 $0xFFFFFFFF  }
0xb5: {  	_ =	strace $0x9000004B  }
0xb6: {  	_ =	sfence  }
0xb7: {  	s30 =	sld [smem:$0x0];
	_ =	sdelay $0x2  }
0xb8: {  	s31 =	sshll.u32 s1, $0xD;
	s1 =	sshrl.u32 s1, $0x2  }
0xb9: {  	s3 =	sand.u32 $0x4000, s31;
	s1 =	sadd.s32 s1, s30  }
0xba: {  	s0 =	sor.u32 s3, s0;
	s1 =	sshll.u32 s1, $0x11  }
0xbb: {  	s0 =	sor.u32 s1, s0  }
0xbc: {  	s0 =	sadd.s32 $0x8F2B, s0  }
0xbd: {  	[sflag:s0] =	ssyncadd.remote.s32 $0x1  }
0xbe: {  	_ =	sfence.sel $0xFFFF  }
0xbf: {  	[dreg:$0x0] =	wrdreg $0xFFFFFFFF;
	(pc) =	sbr.abs _section_cstart, $3  }
0xc0: {  	[dreg:$0x1] =	wrdreg $0xFFFFFFFF  }
0xc1: {  	_ =	task.clear_ibuf [dreg:s6], $0x2FFFF;
	_ =	strace $0x9FFFFFFF  }
0xc2: {  	(tm) =	ssettm $0x7FFFFFFF  }
0xc3: {  	_ =	shalt  }
tec
execute0_lowered:
.L_overlay_start_1:
0x0: {  	(tag) =	ssettag $0x1  }
0x1: {  	s0 =	rddreg [dreg:$0x0]  }
0x2: {  	s1 =	rddreg [dreg:$0x1];
	s2 =	simm.s32 $0x0  }
0x3: {  	s18 =	stileid.u32;
	s6 =	srdreg.scid;
	s28 =	simm.s32 $0x4100  }
0x4: {  	s29 =	simm.s32 $0x4180;
	s30 =	simm.s32 $0x4200;
	s31 =	simm.s32 $0x1  }
0x5: {  	[smem:$0x7FF] =	sst s2;
	s4 =	sadd.s32 $0x50A00, s0;
	s3 =	sadd.s32 $0x1200, s0  }
0x6: {  	s8 =	sadd.s32 $0x14E00, s0;
	s5 =	sadd.s32 $0x77C00, s0;
	s9 =	smul.u32 $0x2800, s18  }
0x7: {  	s6 =	sand.u32 $0x1, s6;
	s10 =	sadd.s32 $0xB000, s0;
	s11 =	smul.u32 $0x50000, s18  }
0x8: {  	s12 =	sadd.s32 $0x1EC00, s0;
	s14 =	smul.u32 $0x4F00, s18;
	s26 =	sshll.u32 s18, $0x6  }
0x9: {  	_ =	strace $0x8000004A;
	s7 =	ssub.s32 $0x2, s6;
	p0 =	seq.s32 s6, $0x1  }
0xa: {  	s13 =	sshrl.u32 s7, $0x1;
	s15 =	sadd.s32 s9, s0;
	s19 =	sshrl.u32 s14, $0x3  }
0xb: {  	s17 =	sshrl.u32 s11, $0x2;
	s0 =	sadd.s32 $0xC6E00, s0;
	s14 =	sadd.s32 s3, s19  }
0xc: {  	s13 =	ssub.s32 s7, s13;
	s20 =	sadd.s32 s8, s19;
	[dreg:$0x3] =	wrdreg s14  }
0xd: {  	s6 =	sadd.s32 s17, s1;
	s21 =	sadd.s32 $0x9EE00, s15;
	[dreg:$0x4] =	wrdreg s20  }
0xe: {  	s7 =	sadd.s32 $0x28A00, s15;
	s22 =	sadd.s32 s10, s19;
	[dreg:$0x5] =	wrdreg s21  }
0xf: {  	s23 =	sadd.s32 s12, s19;
	s11 =	sadd.s32 $0x9D0, s19;
	[dreg:$0x6] =	wrdreg s22  }
0x10: {  	[dreg:$0x7] =	wrdreg s23;
	s13 =	smax.u32 s13, $0x1;
	s24 =	sadd.s32 s3, s11  }
0x11: {  	s25 =	sadd.s32 s8, s11;
	s22 =	smul.u32 $0x9E0, s18;
	s16 =	sadd.s32 s10, s11  }
.Ltmp0:
0x12: {  	s17 =	sadd.s32 s12, s11;
	s18 =	sor.u32 $0x1C03, s26;
	(pc) =	sbr.rel .LBB2_1-.Ltmp0, $4  }
0x13: {  	s23 =	simm.s32 $0x3;
	s26 =	simm.s32 $0x100;
	[dreg:$0x8] =	wrdreg s24  }
0x14: {  	[dreg:$0x9] =	wrdreg s25;
	s24 =	sadd.s32 s9, s0;
	s25 =	simm.s32 $0x80  }
0x15: {  	s0 =	simm.s32 $0x2;
	s19 =	sadd.s32 s22, s8;
	s20 =	sadd.s32 s22, s3  }
0x16: {  	s21 =	sadd.s32 s22, s12;
	s22 =	sadd.s32 s22, s10;
	s3 =	simm.s32 $0x0  }
.LBB2_7:
0x17: {  	s10 =	sadd.s32 $0x9D0, s12;
	[sflag:s23] =	ssyncadd.s32 $0xFFFFC000  }
0x18: {  	[tilespmem:s28], [sflag:$0x3] =	stream.linear.gather [hbm4b:s10+s2], $0x80, $0x38;
	[tilespmem:$0x1C200] =	vst v63  }
0x19: {  	_ =	swait.ge [sflag:s23], $0x80  }
0x1a: {  	s9 =	sadd.s32 s9, s21;
	[sflag:s23] =	ssyncset.done $0x0  }
0x1b: {  	s14 =	sadd.s32 $0x9D0, s9;
	[sflag:s23] =	ssyncadd.s32 $0xFFFFFF80  }
0x1c: {  	[tilespmem:s29], [sflag:$0x3] =	stream.linear.gather [hbm4b:s14+s2], $0x80, $0x38;
	[tilespmem:$0x1C200] =	vst v63  }
0x1d: {  	_ =	swait.ge [sflag:s23], $0x80  }
0x1e: {  	[sflag:s23] =	ssyncset.done $0x0  }
0x1f: {  	[sflag:s23] =	ssyncadd.s32 $0xFFFFFF80  }
0x20: {  	[tilespmem:s30], [sflag:$0x2] =	stream.indirect.gather [hbm4b:s5+s25], $0x80, s28, s25, $0xb8;
	[tilespmem:$0x1C200] =	vst v63  }
0x21: {  	_ =	swait.ge [sflag:s31], $0x4000  }
0x22: {  	[sflag:s31] =	ssyncset.done $0x0  }
0x23: {  	[sflag:s31] =	ssyncadd.s32 $0xFFFFC000  }
0x24: {  	[spmem:s1] =	stream.indirect.scatter.add.f32 [tilespmem:s26], [sflag:$0x3], $0x80, s25, s25, $0xb8;
	[tilespmem:$0x1C200] =	vst v63  }
0x25: {  	_ =	swait.ge [sflag:s23], $0x4000  }
0x26: {  	[sflag:s23] =	ssyncset.done $0x0  }
0x27: {  	s15 =	sadd.s32 $0x9E0, s12;
	[sflag:s23] =	ssyncadd.s32 $0xFFFFC000  }
0x28: {  	[tilespmem:s2], [sflag:$0x3] =	stream.linear.gather [hbm4b:s15+s2], $0x80, $0x38;
	[tilespmem:$0x1C200] =	vst v63  }
0x29: {  	_ =	swait.ge [sflag:s23], $0x80  }
0x2a: {  	[sflag:s23] =	ssyncset.done $0x0  }
0x2b: {  	s9 =	sadd.s32 $0x9E0, s9;
	[sflag:s23] =	ssyncadd.s32 $0xFFFFFF80  }
0x2c: {  	[tilespmem:s25], [sflag:$0x3] =	stream.linear.gather [hbm4b:s9+s2], $0x80, $0x38;
	[tilespmem:$0x1C200] =	vst v63  }
0x2d: {  	_ =	swait.ge [sflag:s23], $0x80  }
0x2e: {  	[sflag:s23] =	ssyncset.done $0x0  }
0x2f: {  	[sflag:s23] =	ssyncadd.s32 $0xFFFFFF80  }
0x30: {  	[tilespmem:s26], [sflag:$0x1] =	stream.indirect.gather [hbm4b:s5+s25], $0x80, s2, s25, $0xb8;
	[tilespmem:$0x1C200] =	vst v63  }
0x31: {  	_ =	swait.ge [sflag:s0], $0x4000  }
0x32: {  	[sflag:s0] =	ssyncset.done $0x0  }
0x33: {  	[sflag:s0] =	ssyncadd.s32 $0xFFFFC000  }
0x34: {  	[spmem:s1] =	stream.indirect.scatter.add.f32 [tilespmem:s30], [sflag:$0x3], $0x80, s29, s25, $0xb8;
	[tilespmem:$0x1C200] =	vst v63  }
0x35: {  	_ =	swait.ge [sflag:s23], $0x4000  }
0x36: {  	[sflag:s23] =	ssyncset.done $0x0  }
0x37: {  	[sflag:s23] =	ssyncadd.s32 $0xFFFFC000  }
0x38: {  	[tilespmem:s28], [sflag:$0x3] =	stream.linear.gather [hbm4b:s16+s2], $0x80, $0x38;
	[tilespmem:$0x1C200] =	vst v63  }
0x39: {  	_ =	swait.ge [sflag:s23], $0x80  }
0x3a: {  	[sflag:s23] =	ssyncset.done $0x0  }
0x3b: {  	[sflag:s23] =	ssyncadd.s32 $0xFFFFFF80  }
0x3c: {  	[tilespmem:s29], [sflag:$0x3] =	stream.linear.gather [hbm4b:s17+s2], $0x80, $0x38;
	[tilespmem:$0x1C200] =	vst v63  }
0x3d: {  	_ =	swait.ge [sflag:s23], $0x80  }
0x3e: {  	[sflag:s23] =	ssyncset.done $0x0  }
0x3f: {  	[sflag:s23] =	ssyncadd.s32 $0xFFFFFF80  }
0x40: {  	[tilespmem:s30], [sflag:$0x2] =	stream.indirect.gather [hbm4b:s5+s25], $0x80, s28, s25, $0xb8;
	[tilespmem:$0x1C200] =	vst v63  }
0x41: {  	_ =	swait.ge [sflag:s31], $0x4000  }
0x42: {  	[sflag:s31] =	ssyncset.done $0x0  }
0x43: {  	[sflag:s31] =	ssyncadd.s32 $0xFFFFC000  }
0x44: {  	[spmem:s1] =	stream.indirect.scatter.add.f32 [tilespmem:s26], [sflag:$0x3], $0x80, s25, s25, $0xb8;
	[tilespmem:$0x1C200] =	vst v63  }
0x45: {  	_ =	swait.ge [sflag:s23], $0x4000  }
0x46: {  	[sflag:s23] =	ssyncset.done $0x0  }
0x47: {  	[sflag:s23] =	ssyncadd.s32 $0xFFFFC000  }
0x48: {  	_ =	swait.ge [sflag:s0], $0x4000  }
0x49: {  	[sflag:s0] =	ssyncset.done $0x0  }
0x4a: {  	[sflag:s0] =	ssyncadd.s32 $0xFFFFC000  }
0x4b: {  	[spmem:s1] =	stream.indirect.scatter.add.f32 [tilespmem:s30], [sflag:$0x3], $0x80, s29, s25, $0xb8;
	[tilespmem:$0x1C200] =	vst v63  }
0x4c: {  	_ =	swait.ge [sflag:s23], $0x4000  }
0x4d: {  	[sflag:s23] =	ssyncset.done $0x0  }
0x4e: {  	[sflag:s23] =	ssyncadd.s32 $0xFFFFC000  }
0x4f: {  	s9 =	smov.u32 s24;
	[bflag:$0x0] =	sbarrier.arrive $0xFFFF  }
.LBB2_8:
0x50: {  	s3 =	sadd.s32 $0x1, s3  }
0x51: {  	p1 =	sne.s32 s3, s13  }
.Ltmp1:
0x52: {  	_ = 	snop;
	(pc) =	sbr.rel @!p1 .LBB2_9-.Ltmp1, $4  }
0x53: {  	[hbm:s9], [sflag:s18] =	dma.local [spmem:s8], $0x2800  }
0x54: {  	_ =	swait.ge [sflag:s23], $0x2800  }
0x55: {  	[sflag:s23] =	ssyncset.done $0x0  }
0x56: {  	[sflag:s23] =	ssyncadd.s32 $0xFFFFD800  }
.LBB2_1:
0x57: {  	s8 =	sshrl.u32 s6, $0x3  }
0x58: {  	[spmem:s8], [sflag:s18] =	dma.local [hbm:s7], $0x2800  }
.Ltmp2:
0x59: {  	_ =	swait.ge [sflag:s23], $0x2800;
	(pc) =	sbr.rel @!p0 .LBB2_2-.Ltmp2, $3  }
0x5a: {  	[sflag:s23] =	ssyncset.done $0x0  }
0x5b: {  	[sflag:s23] =	ssyncadd.s32 $0xFFFFD800  }
0x5c: {  	[bflag:$0x0] =	sbarrier.arrive $0xFFFF;
	_ =	sdelay $0x1  }
0x5d: {  	s9 =	rddreg [dreg:$0x6]  }
0x5e: {  	[tilespmem:s2], [sflag:$0x3] =	stream.linear.gather [hbm4b:s9+s2], $0x80, $0x38;
	[tilespmem:$0x1C200] =	vst v63  }
0x5f: {  	_ =	swait.ge [sflag:s23], $0x80  }
0x60: {  	[sflag:s23] =	ssyncset.done $0x0  }
0x61: {  	s11 =	rddreg [dreg:$0x7];
	[sflag:s23] =	ssyncadd.s32 $0xFFFFFF80  }
0x62: {  	[tilespmem:s25], [sflag:$0x3] =	stream.linear.gather [hbm4b:s11+s2], $0x80, $0x38;
	[tilespmem:$0x1C200] =	vst v63  }
0x63: {  	_ =	swait.ge [sflag:s23], $0x80  }
0x64: {  	[sflag:s23] =	ssyncset.done $0x0  }
0x65: {  	s12 =	sadd.s32 $0xFFFFF640, s22;
	[sflag:s23] =	ssyncadd.s32 $0xFFFFFF80  }
0x66: {  	[tilespmem:s26], [sflag:$0x1] =	stream.indirect.gather [hbm4b:s5+s25], $0x80, s2, s25, $0xb8;
	[tilespmem:$0x1C200] =	vst v63  }
0x67: {  	s10 =	sadd.s32 $0x9D0, s12  }
0x68: {  	[tilespmem:s28], [sflag:$0x3] =	stream.linear.gather [hbm4b:s10+s2], $0x80, $0x38;
	[tilespmem:$0x1C200] =	vst v63  }
0x69: {  	_ =	swait.ge [sflag:s23], $0x80  }
0x6a: {  	s14 =	sadd.s32 $0xFFFFF640, s21;
	[sflag:s23] =	ssyncset.done $0x0  }
0x6b: {  	s11 =	sadd.s32 $0x9D0, s14;
	[sflag:s23] =	ssyncadd.s32 $0xFFFFFF80  }
0x6c: {  	[tilespmem:s29], [sflag:$0x3] =	stream.linear.gather [hbm4b:s11+s2], $0x80, $0x38;
	[tilespmem:$0x1C200] =	vst v63  }
0x6d: {  	_ =	swait.ge [sflag:s23], $0x80  }
0x6e: {  	[sflag:s23] =	ssyncset.done $0x0  }
0x6f: {  	[sflag:s23] =	ssyncadd.s32 $0xFFFFFF80  }
0x70: {  	[tilespmem:s30], [sflag:$0x2] =	stream.indirect.gather [hbm4b:s5+s25], $0x80, s28, s25, $0xb8;
	[tilespmem:$0x1C200] =	vst v63  }
0x71: {  	_ =	swait.ge [sflag:s31], $0x4000  }
0x72: {  	[sflag:s31] =	ssyncset.done $0x0  }
0x73: {  	[sflag:s31] =	ssyncadd.s32 $0xFFFFC000  }
0x74: {  	[spmem:s1] =	stream.indirect.scatter.add.f32 [tilespmem:s26], [sflag:$0x3], $0x80, s25, s25, $0xb8;
	[tilespmem:$0x1C200] =	vst v63  }
0x75: {  	_ =	swait.ge [sflag:s23], $0x4000  }
0x76: {  	[sflag:s23] =	ssyncset.done $0x0  }
0x77: {  	s9 =	sadd.s32 $0x9E0, s12;
	[sflag:s23] =	ssyncadd.s32 $0xFFFFC000  }
0x78: {  	[tilespmem:s2], [sflag:$0x3] =	stream.linear.gather [hbm4b:s9+s2], $0x80, $0x38;
	[tilespmem:$0x1C200] =	vst v63  }
0x79: {  	_ =	swait.ge [sflag:s23], $0x80  }
0x7a: {  	[sflag:s23] =	ssyncset.done $0x0  }
0x7b: {  	s15 =	sadd.s32 $0x9E0, s14;
	[sflag:s23] =	ssyncadd.s32 $0xFFFFFF80  }
0x7c: {  	[tilespmem:s25], [sflag:$0x3] =	stream.linear.gather [hbm4b:s15+s2], $0x80, $0x38;
	[tilespmem:$0x1C200] =	vst v63  }
0x7d: {  	_ =	swait.ge [sflag:s23], $0x80  }
0x7e: {  	[sflag:s23] =	ssyncset.done $0x0  }
0x7f: {  	[sflag:s23] =	ssyncadd.s32 $0xFFFFFF80  }
0x80: {  	[tilespmem:s26], [sflag:$0x1] =	stream.indirect.gather [hbm4b:s5+s25], $0x80, s2, s25, $0xb8;
	[tilespmem:$0x1C200] =	vst v63  }
0x81: {  	_ =	swait.ge [sflag:s0], $0x4000  }
0x82: {  	[sflag:s0] =	ssyncset.done $0x0  }
0x83: {  	[sflag:s0] =	ssyncadd.s32 $0xFFFFC000  }
0x84: {  	[spmem:s1] =	stream.indirect.scatter.add.f32 [tilespmem:s30], [sflag:$0x3], $0x80, s29, s25, $0xb8;
	[tilespmem:$0x1C200] =	vst v63  }
0x85: {  	s12 =	sadd.s32 $0xFFFFF660, s22;
	_ =	swait.ge [sflag:s23], $0x4000  }
0x86: {  	s10 =	simm.s32 $0xFFFFF680;
	s9 =	simm.s32 $0xFFFFF660;
	[sflag:s23] =	ssyncset.done $0x0  }
.LBB2_6:
0x87: {  	s14 =	sadd.s32 $0x9D0, s12  }
0x88: {  	[sflag:s23] =	ssyncadd.s32 $0xFFFFC000;
	s15 =	smov.u32 s10;
	s11 =	sadd.s32 $0x20, s10  }
0x89: {  	[tilespmem:s28], [sflag:$0x3] =	stream.linear.gather [hbm4b:s14+s2], $0x80, $0x38;
	[tilespmem:$0x1C200] =	vst v63  }
0x8a: {  	p1 =	sne.s32 s10, $0xFFFFFFE0;
	_ =	swait.ge [sflag:s23], $0x80  }
0x8b: {  	s10 =	sadd.s32 s9, s21;
	s9 =	smov.u32 s15;
	[sflag:s23] =	ssyncset.done $0x0  }
0x8c: {  	s14 =	sadd.s32 $0x9D0, s10;
	[sflag:s23] =	ssyncadd.s32 $0xFFFFFF80  }
0x8d: {  	[tilespmem:s29], [sflag:$0x3] =	stream.linear.gather [hbm4b:s14+s2], $0x80, $0x38;
	[tilespmem:$0x1C200] =	vst v63  }
0x8e: {  	_ =	swait.ge [sflag:s23], $0x80  }
0x8f: {  	[sflag:s23] =	ssyncset.done $0x0  }
0x90: {  	[sflag:s23] =	ssyncadd.s32 $0xFFFFFF80  }
0x91: {  	[tilespmem:s30], [sflag:$0x2] =	stream.indirect.gather [hbm4b:s5+s25], $0x80, s28, s25, $0xb8;
	[tilespmem:$0x1C200] =	vst v63  }
0x92: {  	_ =	swait.ge [sflag:s31], $0x4000  }
0x93: {  	[sflag:s31] =	ssyncset.done $0x0  }
0x94: {  	[sflag:s31] =	ssyncadd.s32 $0xFFFFC000  }
0x95: {  	[spmem:s1] =	stream.indirect.scatter.add.f32 [tilespmem:s26], [sflag:$0x3], $0x80, s25, s25, $0xb8;
	[tilespmem:$0x1C200] =	vst v63  }
0x96: {  	_ =	swait.ge [sflag:s23], $0x4000  }
0x97: {  	[sflag:s23] =	ssyncset.done $0x0  }
0x98: {  	s12 =	sadd.s32 $0x9E0, s12;
	[sflag:s23] =	ssyncadd.s32 $0xFFFFC000  }
0x99: {  	[tilespmem:s2], [sflag:$0x3] =	stream.linear.gather [hbm4b:s12+s2], $0x80, $0x38;
	[tilespmem:$0x1C200] =	vst v63  }
0x9a: {  	_ =	swait.ge [sflag:s23], $0x80  }
0x9b: {  	[sflag:s23] =	ssyncset.done $0x0  }
0x9c: {  	s10 =	sadd.s32 $0x9E0, s10;
	[sflag:s23] =	ssyncadd.s32 $0xFFFFFF80  }
0x9d: {  	[tilespmem:s25], [sflag:$0x3] =	stream.linear.gather [hbm4b:s10+s2], $0x80, $0x38;
	[tilespmem:$0x1C200] =	vst v63  }
0x9e: {  	_ =	swait.ge [sflag:s23], $0x80  }
0x9f: {  	[sflag:s23] =	ssyncset.done $0x0  }
0xa0: {  	[sflag:s23] =	ssyncadd.s32 $0xFFFFFF80  }
0xa1: {  	[tilespmem:s26], [sflag:$0x1] =	stream.indirect.gather [hbm4b:s5+s25], $0x80, s2, s25, $0xb8;
	[tilespmem:$0x1C200] =	vst v63  }
0xa2: {  	_ =	swait.ge [sflag:s0], $0x4000  }
.Ltmp3:
0xa3: {  	[sflag:s0] =	ssyncset.done $0x0;
	(pc) =	sbr.rel @p1 .LBB2_6-.Ltmp3, $4  }
0xa4: {  	[sflag:s0] =	ssyncadd.s32 $0xFFFFC000  }
0xa5: {  	[spmem:s1] =	stream.indirect.scatter.add.f32 [tilespmem:s30], [sflag:$0x3], $0x80, s29, s25, $0xb8;
	[tilespmem:$0x1C200] =	vst v63  }
0xa6: {  	_ =	swait.ge [sflag:s23], $0x4000  }
0xa7: {  	s12 =	sadd.s32 s9, s22;
	s10 =	smov.u32 s11;
	[sflag:s23] =	ssyncset.done $0x0  }
.Ltmp4:
0xa8: {  	_ = 	snop;
	(pc) =	sbr.rel .LBB2_7-.Ltmp4, $1  }
0xa9: {  	_ =	sdelay $0x3  }
.LBB2_2:
0xaa: {  	s9 =	rddreg [dreg:$0x3]  }
0xab: {  	[tilespmem:s2], [sflag:$0x3] =	stream.linear.gather [hbm4b:s9+s2], $0x80, $0x38;
	[tilespmem:$0x1C200] =	vst v63  }
0xac: {  	_ =	swait.ge [sflag:s23], $0x80  }
0xad: {  	[sflag:s23] =	ssyncset.done $0x0  }
0xae: {  	s11 =	rddreg [dreg:$0x4];
	[sflag:s23] =	ssyncadd.s32 $0xFFFFFF80  }
0xaf: {  	[tilespmem:s25], [sflag:$0x3] =	stream.linear.gather [hbm4b:s11+s2], $0x80, $0x38;
	[tilespmem:$0x1C200] =	vst v63  }
0xb0: {  	_ =	swait.ge [sflag:s23], $0x80  }
0xb1: {  	[sflag:s23] =	ssyncset.done $0x0  }
0xb2: {  	s12 =	sadd.s32 $0xFFFFF640, s20;
	[sflag:s23] =	ssyncadd.s32 $0xFFFFFF80  }
0xb3: {  	[tilespmem:s26], [sflag:$0x1] =	stream.indirect.gather [hbm4b:s4+s25], $0x80, s2, s25, $0xb8;
	[tilespmem:$0x1C200] =	vst v63  }
0xb4: {  	s10 =	sadd.s32 $0x9D0, s12  }
0xb5: {  	[tilespmem:s28], [sflag:$0x3] =	stream.linear.gather [hbm4b:s10+s2], $0x80, $0x38;
	[tilespmem:$0x1C200] =	vst v63  }
0xb6: {  	_ =	swait.ge [sflag:s23], $0x80  }
0xb7: {  	s14 =	sadd.s32 $0xFFFFF640, s19;
	[sflag:s23] =	ssyncset.done $0x0  }
0xb8: {  	s11 =	sadd.s32 $0x9D0, s14;
	[sflag:s23] =	ssyncadd.s32 $0xFFFFFF80  }
0xb9: {  	[tilespmem:s29], [sflag:$0x3] =	stream.linear.gather [hbm4b:s11+s2], $0x80, $0x38;
	[tilespmem:$0x1C200] =	vst v63  }
0xba: {  	_ =	swait.ge [sflag:s23], $0x80  }
0xbb: {  	[sflag:s23] =	ssyncset.done $0x0  }
0xbc: {  	[sflag:s23] =	ssyncadd.s32 $0xFFFFFF80  }
0xbd: {  	[tilespmem:s30], [sflag:$0x2] =	stream.indirect.gather [hbm4b:s4+s25], $0x80, s28, s25, $0xb8;
	[tilespmem:$0x1C200] =	vst v63  }
0xbe: {  	_ =	swait.ge [sflag:s31], $0x4000  }
0xbf: {  	[sflag:s31] =	ssyncset.done $0x0  }
0xc0: {  	[sflag:s31] =	ssyncadd.s32 $0xFFFFC000  }
0xc1: {  	[spmem:s1] =	stream.indirect.scatter.add.f32 [tilespmem:s26], [sflag:$0x3], $0x80, s25, s25, $0xb8;
	[tilespmem:$0x1C200] =	vst v63  }
0xc2: {  	_ =	swait.ge [sflag:s23], $0x4000  }
0xc3: {  	[sflag:s23] =	ssyncset.done $0x0  }
0xc4: {  	s9 =	sadd.s32 $0x9E0, s12;
	[sflag:s23] =	ssyncadd.s32 $0xFFFFC000  }
0xc5: {  	[tilespmem:s2], [sflag:$0x3] =	stream.linear.gather [hbm4b:s9+s2], $0x80, $0x38;
	[tilespmem:$0x1C200] =	vst v63  }
0xc6: {  	_ =	swait.ge [sflag:s23], $0x80  }
0xc7: {  	[sflag:s23] =	ssyncset.done $0x0  }
0xc8: {  	s15 =	sadd.s32 $0x9E0, s14;
	[sflag:s23] =	ssyncadd.s32 $0xFFFFFF80  }
0xc9: {  	[tilespmem:s25], [sflag:$0x3] =	stream.linear.gather [hbm4b:s15+s2], $0x80, $0x38;
	[tilespmem:$0x1C200] =	vst v63  }
0xca: {  	_ =	swait.ge [sflag:s23], $0x80  }
0xcb: {  	[sflag:s23] =	ssyncset.done $0x0  }
0xcc: {  	[sflag:s23] =	ssyncadd.s32 $0xFFFFFF80  }
0xcd: {  	[tilespmem:s26], [sflag:$0x1] =	stream.indirect.gather [hbm4b:s4+s25], $0x80, s2, s25, $0xb8;
	[tilespmem:$0x1C200] =	vst v63  }
0xce: {  	_ =	swait.ge [sflag:s0], $0x4000  }
0xcf: {  	[sflag:s0] =	ssyncset.done $0x0  }
0xd0: {  	[sflag:s0] =	ssyncadd.s32 $0xFFFFC000  }
0xd1: {  	[spmem:s1] =	stream.indirect.scatter.add.f32 [tilespmem:s30], [sflag:$0x3], $0x80, s29, s25, $0xb8;
	[tilespmem:$0x1C200] =	vst v63  }
0xd2: {  	s12 =	sadd.s32 $0xFFFFF660, s20;
	_ =	swait.ge [sflag:s23], $0x4000  }
0xd3: {  	s11 =	simm.s32 $0xFFFFF680;
	s9 =	simm.s32 $0xFFFFF660;
	[sflag:s23] =	ssyncset.done $0x0  }
.LBB2_3:
0xd4: {  	s14 =	sadd.s32 $0x9D0, s12  }
0xd5: {  	[sflag:s23] =	ssyncadd.s32 $0xFFFFC000;
	s15 =	smov.u32 s11;
	s10 =	sadd.s32 $0x20, s11  }
0xd6: {  	[tilespmem:s28], [sflag:$0x3] =	stream.linear.gather [hbm4b:s14+s2], $0x80, $0x38;
	[tilespmem:$0x1C200] =	vst v63  }
0xd7: {  	p1 =	sne.s32 s11, $0xFFFFFFE0;
	_ =	swait.ge [sflag:s23], $0x80  }
0xd8: {  	s11 =	sadd.s32 s9, s19;
	s9 =	smov.u32 s15;
	[sflag:s23] =	ssyncset.done $0x0  }
0xd9: {  	s14 =	sadd.s32 $0x9D0, s11;
	[sflag:s23] =	ssyncadd.s32 $0xFFFFFF80  }
0xda: {  	[tilespmem:s29], [sflag:$0x3] =	stream.linear.gather [hbm4b:s14+s2], $0x80, $0x38;
	[tilespmem:$0x1C200] =	vst v63  }
0xdb: {  	_ =	swait.ge [sflag:s23], $0x80  }
0xdc: {  	[sflag:s23] =	ssyncset.done $0x0  }
0xdd: {  	[sflag:s23] =	ssyncadd.s32 $0xFFFFFF80  }
0xde: {  	[tilespmem:s30], [sflag:$0x2] =	stream.indirect.gather [hbm4b:s4+s25], $0x80, s28, s25, $0xb8;
	[tilespmem:$0x1C200] =	vst v63  }
0xdf: {  	_ =	swait.ge [sflag:s31], $0x4000  }
0xe0: {  	[sflag:s31] =	ssyncset.done $0x0  }
0xe1: {  	[sflag:s31] =	ssyncadd.s32 $0xFFFFC000  }
0xe2: {  	[spmem:s1] =	stream.indirect.scatter.add.f32 [tilespmem:s26], [sflag:$0x3], $0x80, s25, s25, $0xb8;
	[tilespmem:$0x1C200] =	vst v63  }
0xe3: {  	_ =	swait.ge [sflag:s23], $0x4000  }
0xe4: {  	[sflag:s23] =	ssyncset.done $0x0  }
0xe5: {  	s12 =	sadd.s32 $0x9E0, s12;
	[sflag:s23] =	ssyncadd.s32 $0xFFFFC000  }
0xe6: {  	[tilespmem:s2], [sflag:$0x3] =	stream.linear.gather [hbm4b:s12+s2], $0x80, $0x38;
	[tilespmem:$0x1C200] =	vst v63  }
0xe7: {  	_ =	swait.ge [sflag:s23], $0x80  }
0xe8: {  	[sflag:s23] =	ssyncset.done $0x0  }
0xe9: {  	s11 =	sadd.s32 $0x9E0, s11;
	[sflag:s23] =	ssyncadd.s32 $0xFFFFFF80  }
0xea: {  	[tilespmem:s25], [sflag:$0x3] =	stream.linear.gather [hbm4b:s11+s2], $0x80, $0x38;
	[tilespmem:$0x1C200] =	vst v63  }
0xeb: {  	_ =	swait.ge [sflag:s23], $0x80  }
0xec: {  	[sflag:s23] =	ssyncset.done $0x0  }
0xed: {  	[sflag:s23] =	ssyncadd.s32 $0xFFFFFF80  }
0xee: {  	[tilespmem:s26], [sflag:$0x1] =	stream.indirect.gather [hbm4b:s4+s25], $0x80, s2, s25, $0xb8;
	[tilespmem:$0x1C200] =	vst v63  }
0xef: {  	_ =	swait.ge [sflag:s0], $0x4000  }
.Ltmp5:
0xf0: {  	[sflag:s0] =	ssyncset.done $0x0;
	(pc) =	sbr.rel @p1 .LBB2_3-.Ltmp5, $4  }
0xf1: {  	[sflag:s0] =	ssyncadd.s32 $0xFFFFC000  }
0xf2: {  	[spmem:s1] =	stream.indirect.scatter.add.f32 [tilespmem:s30], [sflag:$0x3], $0x80, s29, s25, $0xb8;
	[tilespmem:$0x1C200] =	vst v63  }
0xf3: {  	_ =	swait.ge [sflag:s23], $0x4000  }
0xf4: {  	s12 =	sadd.s32 s9, s20;
	s11 =	smov.u32 s10;
	[sflag:s23] =	ssyncset.done $0x0  }
0xf5: {  	s10 =	sadd.s32 $0x9D0, s12;
	[sflag:s23] =	ssyncadd.s32 $0xFFFFC000  }
0xf6: {  	[tilespmem:s28], [sflag:$0x3] =	stream.linear.gather [hbm4b:s10+s2], $0x80, $0x38;
	[tilespmem:$0x1C200] =	vst v63  }
0xf7: {  	_ =	swait.ge [sflag:s23], $0x80  }
0xf8: {  	s9 =	sadd.s32 s9, s19;
	[sflag:s23] =	ssyncset.done $0x0  }
0xf9: {  	s11 =	sadd.s32 $0x9D0, s9;
	[sflag:s23] =	ssyncadd.s32 $0xFFFFFF80  }
0xfa: {  	[tilespmem:s29], [sflag:$0x3] =	stream.linear.gather [hbm4b:s11+s2], $0x80, $0x38;
	[tilespmem:$0x1C200] =	vst v63  }
0xfb: {  	_ =	swait.ge [sflag:s23], $0x80  }
0xfc: {  	[sflag:s23] =	ssyncset.done $0x0  }
0xfd: {  	[sflag:s23] =	ssyncadd.s32 $0xFFFFFF80  }
0xfe: {  	[tilespmem:s30], [sflag:$0x2] =	stream.indirect.gather [hbm4b:s4+s25], $0x80, s28, s25, $0xb8;
	[tilespmem:$0x1C200] =	vst v63  }
0xff: {  	_ =	swait.ge [sflag:s31], $0x4000  }
0x100: {  	[sflag:s31] =	ssyncset.done $0x0  }
0x101: {  	[sflag:s31] =	ssyncadd.s32 $0xFFFFC000  }
0x102: {  	[spmem:s1] =	stream.indirect.scatter.add.f32 [tilespmem:s26], [sflag:$0x3], $0x80, s25, s25, $0xb8;
	[tilespmem:$0x1C200] =	vst v63  }
0x103: {  	_ =	swait.ge [sflag:s23], $0x4000  }
0x104: {  	[sflag:s23] =	ssyncset.done $0x0  }
0x105: {  	s12 =	sadd.s32 $0x9E0, s12;
	[sflag:s23] =	ssyncadd.s32 $0xFFFFC000  }
0x106: {  	[tilespmem:s2], [sflag:$0x3] =	stream.linear.gather [hbm4b:s12+s2], $0x80, $0x38;
	[tilespmem:$0x1C200] =	vst v63  }
0x107: {  	_ =	swait.ge [sflag:s23], $0x80  }
0x108: {  	[sflag:s23] =	ssyncset.done $0x0  }
0x109: {  	s9 =	sadd.s32 $0x9E0, s9;
	[sflag:s23] =	ssyncadd.s32 $0xFFFFFF80  }
0x10a: {  	[tilespmem:s25], [sflag:$0x3] =	stream.linear.gather [hbm4b:s9+s2], $0x80, $0x38;
	[tilespmem:$0x1C200] =	vst v63  }
0x10b: {  	_ =	swait.ge [sflag:s23], $0x80  }
0x10c: {  	[sflag:s23] =	ssyncset.done $0x0  }
0x10d: {  	[sflag:s23] =	ssyncadd.s32 $0xFFFFFF80  }
0x10e: {  	[tilespmem:s26], [sflag:$0x1] =	stream.indirect.gather [hbm4b:s4+s25], $0x80, s2, s25, $0xb8;
	[tilespmem:$0x1C200] =	vst v63  }
0x10f: {  	_ =	swait.ge [sflag:s0], $0x4000  }
0x110: {  	[sflag:s0] =	ssyncset.done $0x0  }
0x111: {  	[sflag:s0] =	ssyncadd.s32 $0xFFFFC000  }
0x112: {  	[spmem:s1] =	stream.indirect.scatter.add.f32 [tilespmem:s30], [sflag:$0x3], $0x80, s29, s25, $0xb8;
	[tilespmem:$0x1C200] =	vst v63  }
0x113: {  	_ =	swait.ge [sflag:s23], $0x4000  }
0x114: {  	[sflag:s23] =	ssyncset.done $0x0  }
0x115: {  	s14 =	rddreg [dreg:$0x8];
	[sflag:s23] =	ssyncadd.s32 $0xFFFFC000  }
0x116: {  	[tilespmem:s28], [sflag:$0x3] =	stream.linear.gather [hbm4b:s14+s2], $0x80, $0x38;
	[tilespmem:$0x1C200] =	vst v63  }
0x117: {  	_ =	swait.ge [sflag:s23], $0x80  }
0x118: {  	[sflag:s23] =	ssyncset.done $0x0  }
0x119: {  	s15 =	rddreg [dreg:$0x9];
	[sflag:s23] =	ssyncadd.s32 $0xFFFFFF80  }
0x11a: {  	[tilespmem:s29], [sflag:$0x3] =	stream.linear.gather [hbm4b:s15+s2], $0x80, $0x38;
	[tilespmem:$0x1C200] =	vst v63  }
0x11b: {  	_ =	swait.ge [sflag:s23], $0x80  }
0x11c: {  	[sflag:s23] =	ssyncset.done $0x0  }
0x11d: {  	[sflag:s23] =	ssyncadd.s32 $0xFFFFFF80  }
0x11e: {  	[tilespmem:s30], [sflag:$0x2] =	stream.indirect.gather [hbm4b:s4+s25], $0x80, s28, s25, $0xb8;
	[tilespmem:$0x1C200] =	vst v63  }
0x11f: {  	_ =	swait.ge [sflag:s31], $0x4000  }
0x120: {  	[sflag:s31] =	ssyncset.done $0x0  }
0x121: {  	[sflag:s31] =	ssyncadd.s32 $0xFFFFC000  }
0x122: {  	[spmem:s1] =	stream.indirect.scatter.add.f32 [tilespmem:s26], [sflag:$0x3], $0x80, s25, s25, $0xb8;
	[tilespmem:$0x1C200] =	vst v63  }
0x123: {  	_ =	swait.ge [sflag:s23], $0x4000  }
0x124: {  	[sflag:s23] =	ssyncset.done $0x0  }
0x125: {  	[sflag:s23] =	ssyncadd.s32 $0xFFFFC000  }
0x126: {  	_ =	swait.ge [sflag:s0], $0x4000  }
0x127: {  	[sflag:s0] =	ssyncset.done $0x0  }
0x128: {  	[sflag:s0] =	ssyncadd.s32 $0xFFFFC000  }
0x129: {  	[spmem:s1] =	stream.indirect.scatter.add.f32 [tilespmem:s30], [sflag:$0x3], $0x80, s29, s25, $0xb8;
	[tilespmem:$0x1C200] =	vst v63  }
.Ltmp6:
0x12a: {  	_ =	swait.ge [sflag:s23], $0x4000;
	(pc) =	sbr.rel .LBB2_8-.Ltmp6, $4  }
0x12b: {  	[sflag:s23] =	ssyncset.done $0x0  }
0x12c: {  	[sflag:s23] =	ssyncadd.s32 $0xFFFFC000  }
0x12d: {  	[bflag:$0x0] =	sbarrier.arrive $0xFFFF  }
0x12e: {  	s9 =	rddreg [dreg:$0x5]  }
.LBB2_9:
0x12f: {  	_ =	sfence.sel $0x180000  }
0x130: {  	[bflag:$0x0] =	sbarrier.arrive $0xFFFF  }
0x131: {  	_ =	strace $0x9000004A  }
0x132: {  	s0 =	stileid.u32;
	[bflag:$0x2] =	sbarrier.arrive $0xFFFF  }
0x133: {  	p0 =	sne.s32 s0, $0x0;
	s0 =	rddreg [dreg:$0x2]  }
0x134: {  	s0 =	sadd.s32 @!p0 $0x100000, s0  }
0x135: {  	[sflag:s0] =	ssyncadd.tile.s32 @!p0 $0x1;
	_ =	shalt  }
.Lfunc_end2:
_tile_overlayer_lowered:
.L_overlay_start_2:
0x136: {  	(tag) =	ssettag $0x2  }
0x137: {  	s0 =	rddreg [dreg:$0x0];
	s2 =	stileid.u32  }
0x138: {  	s1 =	rddreg [dreg:$0x1];
	p0 =	sne.s32 s2, $0x0  }
0x139: {  	s3 =	rddreg [dreg:$0x2];
	[bflag:$0x3] =	sbarrier.arrive $0xFFFF;
	s2 =	simm.s32 @!p0 $0x1C03  }
0x13a: {  	[timem:s3], [sflag:s2] =	dma.local @!p0 [hbm:s0], s1  }
0x13b: {  	s0 =	simm.s32 @!p0 $0x3  }
0x13c: {  	_ =	swait.ge @!p0 [sflag:s0], s1  }
0x13d: {  	s1 =	ssub.s32 @!p0 $0x0, s1;
	[sflag:s0] =	ssyncset.done @!p0 $0x0  }
0x13e: {  	[sflag:s0] =	ssyncadd.s32 @!p0 s1  }
0x13f: {  	[bflag:$0x3] =	sbarrier.arrive $0xFFFF  }
0x140: {  	_ =	shalt  }

// kernel: kernel.7.cloned.1.call-start
scs
__scs_entry_jumppad:
0x0: {  	(pc) =	sbr.rel $0x88, $3  }
0x1: {  	(tag) =	ssettag $0x0;
	lr =	simm.s32 $0x1  }
0x2: {  	[smem:$0x3F83] =	sst lr;
	_ =	strace $0xD0000000  }
0x3: {  	_ = 	snop  }
0x4: {  	_ = 	snop  }
0x5: {  	_ = 	snop  }
0x6: {  	_ = 	snop  }
0x7: {  	_ = 	snop  }
__scs_overlays_trampoline_lowered:
0x8: {  	[smem:$0x3F92] =	sst s0  }
0x9: {  	[smem:$0x3F93] =	sst s1  }
0xa: {  	[smem:$0x3F94] =	sst s2  }
0xb: {  	[smem:$0x3F95] =	sst s3  }
0xc: {  	[smem:$0x3F96] =	sst s4  }
0xd: {  	[smem:$0x3F97] =	sst s5  }
0xe: {  	[smem:$0x3F98] =	sst s6  }
0xf: {  	[smem:$0x3F99] =	sst s7  }
0x10: {  	[smem:$0x3F9A] =	sst s8  }
0x11: {  	[smem:$0x3F9B] =	sst s9;
	s0 =	simm.s32 @!p0 $0x0  }
0x12: {  	s1 =	sld [smem:$0x3F81];
	s0 =	simm.s32 @p0 $0x1  }
0x13: {  	[smem:$0x3F9C] =	sst s0;
	s0 =	simm.s32 @!p1 $0x0  }
0x14: {  	s2 =	sld [smem:$0x3F80];
	s0 =	simm.s32 @p1 $0x1  }
0x15: {  	[smem:$0x3F9D] =	sst s0;
	s0 =	simm.s32 @!p2 $0x0  }
0x16: {  	s3 =	sld [smem:$0x3FDB];
	s0 =	simm.s32 @p2 $0x1  }
0x17: {  	s4 =	simm.s32 $0x1BF5;
	[smem:$0x3F9F] =	sst s0  }
0x18: {  	s0 =	sld [smem:$0x3F82];
	_ =	swait.ge [sflag:s4], $0x0  }
0x19: {  	s7 =	sld [smem:$0x3F83]  }
0x1a: {  	s8 =	sadd.s32 $0xFFFFE003, lr  }
0x1b: {  	s9 =	sadd.s32 $0xFFFFFEF7, lr;
	s5 =	simm.s32 $0xFFFFFFFF;
	p2 =	slt.u32 s8, $0xFFFFF086  }
0x1c: {  	p1 =	slt.u32 s9, $0xF7A;
	s5 =	simm.s32 @!p2 $0x0  }
0x1d: {  	s5 =	simm.s32 @p1 $0x1;
	p0 =	seq.s32 s7, s2  }
0x1e: {  	s7 =	smul.u32 @!p0 $0xF7A, s2;
	p2 =	seq.s32 @!p0 s5, $0x0  }
0x1f: {  	s9 =	smul.u32 $0xF7A, s1;
	s8 =	simm.s32 @!p0 $0x1BF5;
	p2 =	por !p2, p0  }
0x20: {  	[sflag:s8] =	ssyncset.s32 @!p0 $0xFFFFF086;
	s6 =	sadd.s32 @!p0 s3, s7;
	s7 =	simm.s32 @!p0 $0x108  }
0x21: {  	s3 =	sadd.s32 s3, s9;
	s6 =	sadd.s32 @!p0 $0x88, s6;
	s7 =	simm.s32 @p2 $0x1082  }
0x22: {  	[simem:s7], [sflag:s8] =	dma.local @!p0 [hbm:s6], $0xF7A  }
0x23: {  	s9 =	sor.u32 $0xD0000000, s2;
	s6 =	simm.s32 $0x108;
	_ =	swait.ge @!p0 [sflag:s8], $0x0  }
0x24: {  	s3 =	sadd.s32 $0x88, s3;
	s6 =	simm.s32 @!p1 $0x1082;
	[sflag:s4] =	ssyncset.s32 $0xFFFFF086  }
0x25: {  	[simem:s6], [sflag:s4] =	dma.local [hbm:s3], $0xF7A  }
0x26: {  	[smem:$0x3F83] =	sst s1;
	(tag) =	ssettag s2;
	_ =	strace s9  }
0x27: {  	s1 =	sld [smem:$0x3F93]  }
0x28: {  	s2 =	sld [smem:$0x3F94]  }
0x29: {  	s4 =	sld [smem:$0x3F96]  }
0x2a: {  	p0 =	seq.s32 s5, $0x0;
	s5 =	sld [smem:$0x3F97]  }
0x2b: {  	s6 =	sld [smem:$0x3F98]  }
0x2c: {  	s7 =	sld [smem:$0x3F99]  }
0x2d: {  	s3 =	simm.s32 $0x108;
	s8 =	sld [smem:$0x3F9A]  }
0x2e: {  	s3 =	simm.s32 @!p0 $0x1082;
	s9 =	sld [smem:$0x3F9B]  }
0x2f: {  	lr =	sadd.s32 s0, s3;
	s0 =	sld [smem:$0x3F92]  }
0x30: {  	s3 =	sld [smem:$0x3F95]  }
0x31: {  	[smem:$0x3F9E] =	sst s10  }
0x32: {  	s10 =	sld [smem:$0x3F9C];
	_ =	sdelay $0x3  }
0x33: {  	p0 =	seq.s32 s10, $0x1;
	s10 =	sld [smem:$0x3F9E];
	_ =	sdelay $0x3  }
0x34: {  	[smem:$0x3F9E] =	sst s10  }
0x35: {  	s10 =	sld [smem:$0x3F9D];
	_ =	sdelay $0x3  }
0x36: {  	p1 =	seq.s32 s10, $0x1;
	s10 =	sld [smem:$0x3F9E];
	_ =	sdelay $0x3  }
0x37: {  	[smem:$0x3F9E] =	sst s10  }
0x38: {  	s10 =	sld [smem:$0x3F9F]  }
0x39: {  	_ = 	snop;
	(pc) =	sbr.ind lr, $3  }
0x3a: {  	_ = 	snop  }
0x3b: {  	_ = 	snop  }
0x3c: {  	p2 =	seq.s32 s10, $0x1;
	s10 =	sld [smem:$0x3F9E]  }
0x3d: {  	_ =	shalt  }
0x3e: {  	_ =	shalt  }
0x3f: {  	_ =	shalt  }
0x40: {  	_ =	shalt  }
0x41: {  	_ =	shalt  }
0x42: {  	_ =	shalt  }
0x43: {  	_ =	shalt  }
0x44: {  	_ =	shalt  }
0x45: {  	_ =	shalt  }
0x46: {  	_ =	shalt  }
0x47: {  	_ =	shalt  }
0x48: {  	_ =	shalt  }
0x49: {  	_ =	shalt  }
0x4a: {  	_ =	shalt  }
0x4b: {  	_ =	shalt  }
0x4c: {  	_ =	shalt  }
0x4d: {  	_ =	shalt  }
0x4e: {  	_ =	shalt  }
0x4f: {  	_ =	shalt  }
0x50: {  	_ =	shalt  }
0x51: {  	_ =	shalt  }
0x52: {  	_ =	shalt  }
0x53: {  	_ =	shalt  }
0x54: {  	_ =	shalt  }
0x55: {  	_ =	shalt  }
0x56: {  	_ =	shalt  }
0x57: {  	_ =	shalt  }
0x58: {  	_ =	shalt  }
0x59: {  	_ =	shalt  }
0x5a: {  	_ =	shalt  }
0x5b: {  	_ =	shalt  }
0x5c: {  	_ =	shalt  }
0x5d: {  	_ =	shalt  }
0x5e: {  	_ =	shalt  }
0x5f: {  	_ =	shalt  }
0x60: {  	_ =	shalt  }
0x61: {  	_ =	shalt  }
0x62: {  	_ =	shalt  }
0x63: {  	_ =	shalt  }
0x64: {  	_ =	shalt  }
0x65: {  	_ =	shalt  }
0x66: {  	_ =	shalt  }
0x67: {  	_ =	shalt  }
0x68: {  	_ =	shalt  }
0x69: {  	_ =	shalt  }
0x6a: {  	_ =	shalt  }
0x6b: {  	_ =	shalt  }
0x6c: {  	_ =	shalt  }
0x6d: {  	_ =	shalt  }
0x6e: {  	_ =	shalt  }
0x6f: {  	_ =	shalt  }
0x70: {  	_ =	shalt  }
0x71: {  	_ =	shalt  }
0x72: {  	_ =	shalt  }
0x73: {  	_ =	shalt  }
0x74: {  	_ =	shalt  }
0x75: {  	_ =	shalt  }
0x76: {  	_ =	shalt  }
0x77: {  	_ =	shalt  }
0x78: {  	_ =	shalt  }
0x79: {  	_ =	shalt  }
0x7a: {  	_ =	shalt  }
0x7b: {  	_ =	shalt  }
0x7c: {  	_ =	shalt  }
0x7d: {  	_ =	shalt  }
0x7e: {  	_ =	shalt  }
0x7f: {  	_ =	shalt  }
0x80: {  	_ =	shalt  }
0x81: {  	_ =	shalt  }
0x82: {  	_ =	shalt  }
0x83: {  	_ =	shalt  }
0x84: {  	_ =	shalt  }
0x85: {  	_ =	shalt  }
0x86: {  	_ =	shalt  }
0x87: {  	_ =	shalt  }
.Lfunc_end0:
.L_simem_size_0:
called_computation_lowered:
.L_overlay_start_0:
0x88: {  	s2 =	sld [smem:$0x3FD9]  }
0x89: {  	s3 =	sld [smem:$0x3FFE];
	_ =	sdelay $0x1  }
0x8a: {  	s1 =	srdreg.scid  }
0x8b: {  	s0 =	sand.u32 $0x1, s1  }
0x8c: {  	s17 =	sshll.u32 s0, $0xA;
	s2 =	sadd.s32 s3, s2  }
0x8d: {  	s2 =	sadd.s32 s2, s17  }
0x8e: {  	[smem:$0x3FAA] =	sst s2  }
0x8f: {  	_ = 	snop  }
0x90: {  	s2 =	sld [smem:$0x3FC9]  }
0x91: {  	s18 =	sld [smem:$0x3FC7];
	(tm) =	ssettm $0x1  }
0x92: {  	s4 =	sld [smem:$0x3FFB];
	_ =	sdelay $0x3  }
0x93: {  	_ =	strace s4  }
0x94: {  	s4 =	sld [smem:$0x3FFC];
	_ =	sdelay $0x3  }
0x95: {  	_ =	strace s4  }
0x96: {  	s4 =	sld [smem:$0x3FFD];
	_ =	sdelay $0x3  }
0x97: {  	_ =	strace s4  }
0x98: {  	_ =	strace $0x8FFFFFFF  }
0x99: {  	s19 =	sld [smem:$0x3FDB];
	_ =	sdelay $0x1  }
0x9a: {  	s5 =	simm.s32 $_scs_section_size  }
0x9b: {  	s6 =	simm.s32 $_size__tile_overlayer_lowered;
	s7 =	simm.s32 $_tile_overlayer_lowered  }
0x9c: {  	s22 =	simm.s32 $0x1BFF;
	s21 =	sshll.u32 s7, $0x1;
	s4 =	sadd.s32 s5, s19  }
0x9d: {  	s8 =	simm.s32 $0x0;
	s20 =	sshll.u32 s6, $0x1;
	s6 =	sadd.s32 s21, s4  }
0x9e: {  	[timem:s8], [sflag:s22] =	dma.local [hbm:s6], s20  }
0x9f: {  	_ =	swait.ge [sflag:s22], s20  }
0xa0: {  	s5 =	ssub.s32 $0x0, s20;
	[sflag:s22] =	ssyncset.done $0x0  }
0xa1: {  	[sflag:s22] =	ssyncadd.s32 s5;
	_ =	sdelay $0x1  }
0xa2: {  	s23 =	simm.s32 $0x1B8B  }
0xa3: {  	_ =	swait.ge [sflag:s23], $0x1  }
0xa4: {  	[sflag:s23] =	ssyncset.done $0x0  }
0xa5: {  	s25 =	simm.s32 $0x1B8E;
	s24 =	sld [smem:$0x3FFE];
	[sflag:s23] =	ssyncadd.s32 $0xFFFFFFFF  }
0xa6: {  	s26 =	simm.s32 $execute0_lowered;
	[smem:$0x3FD2] =	sst s25  }
0xa7: {  	s6 =	sshll.u32 s26, $0x1;
	_ =	strace $0x80000046;
	[dreg:$0x1] =	wrdreg $0xFFFFFFFF  }
0xa8: {  	s28 =	simm.s32 $_size_execute0_lowered;
	s4 =	sadd.s32 s4, s6;
	[dreg:$0x0] =	wrdreg $0x0  }
0xa9: {  	s6 =	sshll.u32 s28, $0x1;
	[dreg:$0x2] =	wrdreg s4  }
0xaa: {  	[dreg:$0x3] =	wrdreg s6  }
0xab: {  	[dreg:$0x4] =	wrdreg $0xC0  }
0xac: {  	_ =	task [dreg:s8], $0x5FFFF  }
0xad: {  	[dreg:$0x1] =	wrdreg $0xFFFFFFFF  }
0xae: {  	[dreg:$0x0] =	wrdreg $0x60  }
0xaf: {  	[dreg:$0x2] =	wrdreg s2  }
0xb0: {  	[dreg:$0x3] =	wrdreg s24  }
0xb1: {  	[dreg:$0x4] =	wrdreg s18  }
0xb2: {  	[dreg:$0x5] =	wrdreg $0x82000  }
0xb3: {  	[dreg:$0x6] =	wrdreg $0x9  }
0xb4: {  	_ =	task.clear_ibuf [dreg:s8], $0x7FFFF;
	_ =	strace $0x90000046  }
0xb5: {  	s29 =	simm.s32 $0x9;
	_ =	strace $0x80000048  }
0xb6: {  	_ =	swait.ge [sflag:s29], $0x1  }
0xb7: {  	[sflag:s29] =	ssyncadd.s32 $0xFFFFFFFF  }
0xb8: {  	_ =	strace $0x90000048  }
0xb9: {  	_ =	sfence  }
0xba: {  	s30 =	sld [smem:$0x0];
	_ =	sdelay $0x2  }
0xbb: {  	s31 =	sshll.u32 s1, $0xD;
	s1 =	sshrl.u32 s1, $0x2  }
0xbc: {  	s3 =	sand.u32 $0x4000, s31;
	s1 =	sadd.s32 s1, s30  }
0xbd: {  	s0 =	sor.u32 s3, s0;
	s1 =	sshll.u32 s1, $0x11  }
0xbe: {  	s0 =	sor.u32 s1, s0  }
0xbf: {  	s0 =	sadd.s32 $0x8F2B, s0  }
0xc0: {  	[sflag:s0] =	ssyncadd.remote.s32 $0x1  }
0xc1: {  	_ =	sfence.sel $0xFFFF  }
0xc2: {  	[dreg:$0x0] =	wrdreg $0xFFFFFFFF;
	(pc) =	sbr.abs _section_cstart, $3  }
0xc3: {  	[dreg:$0x1] =	wrdreg $0xFFFFFFFF  }
0xc4: {  	_ =	task.clear_ibuf [dreg:s8], $0x2FFFF;
	_ =	strace $0x9FFFFFFF  }
0xc5: {  	(tm) =	ssettm $0x7FFFFFFF  }
tec
execute0_lowered:
.L_overlay_start_1:
0x0: {  	(tag) =	ssettag $0x1  }
0x1: {  	s1 =	rddreg [dreg:$0x0]  }
0x2: {  	s0 =	rddreg [dreg:$0x1]  }
0x3: {  	s2 =	rddreg [dreg:$0x2]  }
0x4: {  	s3 =	rddreg [dreg:$0x3];
	s5 =	simm.s32 $0x0;
	s18 =	stileid.u32  }
0x5: {  	s6 =	srdreg.scid;
	s28 =	simm.s32 $0x4100;
	s29 =	simm.s32 $0x4180  }
0x6: {  	s30 =	simm.s32 $0x4200;
	s31 =	simm.s32 $0x1;
	[smem:$0x7FF] =	sst s5  }
0x7: {  	s4 =	sadd.s32 $0x1200, s0;
	s8 =	sadd.s32 $0x14E00, s0;
	s9 =	smul.u32 $0x2800, s18  }
0x8: {  	s6 =	sand.u32 $0x1, s6;
	s10 =	sadd.s32 $0xB000, s0;
	s11 =	smul.u32 $0x50000, s18  }
0x9: {  	s12 =	sadd.s32 $0x1EC00, s0;
	s14 =	smul.u32 $0x4F00, s18;
	s26 =	sshll.u32 s18, $0x6  }
0xa: {  	_ =	strace $0x80000047;
	s7 =	ssub.s32 $0x2, s6;
	p0 =	seq.s32 s6, $0x1  }
0xb: {  	s13 =	sshrl.u32 s7, $0x1;
	s15 =	sadd.s32 s9, s0;
	s19 =	sshrl.u32 s14, $0x3  }
0xc: {  	s17 =	sshrl.u32 s11, $0x2;
	s0 =	sadd.s32 $0x78A00, s0;
	s14 =	sadd.s32 s4, s19  }
0xd: {  	s13 =	ssub.s32 s7, s13;
	s20 =	sadd.s32 s8, s19;
	[dreg:$0x5] =	wrdreg s14  }
0xe: {  	s6 =	sadd.s32 s17, s3;
	s21 =	sadd.s32 $0x50A00, s15;
	[dreg:$0x6] =	wrdreg s20  }
0xf: {  	s7 =	sadd.s32 $0x28A00, s15;
	s22 =	sadd.s32 s10, s19;
	[dreg:$0x7] =	wrdreg s21  }
0x10: {  	s23 =	sadd.s32 s12, s19;
	s11 =	sadd.s32 $0x9D0, s19;
	[dreg:$0x8] =	wrdreg s22  }
0x11: {  	[dreg:$0x9] =	wrdreg s23;
	s13 =	smax.u32 s13, $0x1;
	s24 =	sadd.s32 s4, s11  }
0x12: {  	s25 =	sadd.s32 s8, s11;
	s22 =	smul.u32 $0x9E0, s18;
	s16 =	sadd.s32 s10, s11  }
.Ltmp0:
0x13: {  	s17 =	sadd.s32 s12, s11;
	s18 =	sor.u32 $0x1C03, s26;
	(pc) =	sbr.rel .LBB2_1-.Ltmp0, $4  }
0x14: {  	s23 =	simm.s32 $0x3;
	s26 =	simm.s32 $0x100;
	[dreg:$0xa] =	wrdreg s24  }
0x15: {  	[dreg:$0xb] =	wrdreg s25;
	s24 =	sadd.s32 s9, s0;
	s25 =	simm.s32 $0x80  }
0x16: {  	s0 =	simm.s32 $0x2;
	s19 =	sadd.s32 s22, s8;
	s20 =	sadd.s32 s22, s4  }
0x17: {  	s21 =	sadd.s32 s22, s12;
	s22 =	sadd.s32 s22, s10;
	s4 =	simm.s32 $0x0  }
.LBB2_7:
0x18: {  	s10 =	sadd.s32 $0x9D0, s12;
	[sflag:s23] =	ssyncadd.s32 $0xFFFFC000  }
0x19: {  	[tilespmem:s28], [sflag:$0x3] =	stream.linear.gather [hbm4b:s10+s5], $0x80, $0x38;
	[tilespmem:$0x1C200] =	vst v63  }
0x1a: {  	_ =	swait.ge [sflag:s23], $0x80  }
0x1b: {  	s9 =	sadd.s32 s9, s21;
	[sflag:s23] =	ssyncset.done $0x0  }
0x1c: {  	s14 =	sadd.s32 $0x9D0, s9;
	[sflag:s23] =	ssyncadd.s32 $0xFFFFFF80  }
0x1d: {  	[tilespmem:s29], [sflag:$0x3] =	stream.linear.gather [hbm4b:s14+s5], $0x80, $0x38;
	[tilespmem:$0x1C200] =	vst v63  }
0x1e: {  	_ =	swait.ge [sflag:s23], $0x80  }
0x1f: {  	[sflag:s23] =	ssyncset.done $0x0  }
0x20: {  	[sflag:s23] =	ssyncadd.s32 $0xFFFFFF80  }
0x21: {  	[tilespmem:s30], [sflag:$0x2] =	stream.indirect.gather [hbm4b:s2+s25], $0x80, s28, s25, $0xb8;
	[tilespmem:$0x1C200] =	vst v63  }
0x22: {  	_ =	swait.ge [sflag:s31], $0x4000  }
0x23: {  	[sflag:s31] =	ssyncset.done $0x0  }
0x24: {  	[sflag:s31] =	ssyncadd.s32 $0xFFFFC000  }
0x25: {  	[spmem:s3] =	stream.indirect.scatter.add.f32 [tilespmem:s26], [sflag:$0x3], $0x80, s25, s25, $0xb8;
	[tilespmem:$0x1C200] =	vst v63  }
0x26: {  	_ =	swait.ge [sflag:s23], $0x4000  }
0x27: {  	[sflag:s23] =	ssyncset.done $0x0  }
0x28: {  	s15 =	sadd.s32 $0x9E0, s12;
	[sflag:s23] =	ssyncadd.s32 $0xFFFFC000  }
0x29: {  	[tilespmem:s5], [sflag:$0x3] =	stream.linear.gather [hbm4b:s15+s5], $0x80, $0x38;
	[tilespmem:$0x1C200] =	vst v63  }
0x2a: {  	_ =	swait.ge [sflag:s23], $0x80  }
0x2b: {  	[sflag:s23] =	ssyncset.done $0x0  }
0x2c: {  	s9 =	sadd.s32 $0x9E0, s9;
	[sflag:s23] =	ssyncadd.s32 $0xFFFFFF80  }
0x2d: {  	[tilespmem:s25], [sflag:$0x3] =	stream.linear.gather [hbm4b:s9+s5], $0x80, $0x38;
	[tilespmem:$0x1C200] =	vst v63  }
0x2e: {  	_ =	swait.ge [sflag:s23], $0x80  }
0x2f: {  	[sflag:s23] =	ssyncset.done $0x0  }
0x30: {  	[sflag:s23] =	ssyncadd.s32 $0xFFFFFF80  }
0x31: {  	[tilespmem:s26], [sflag:$0x1] =	stream.indirect.gather [hbm4b:s2+s25], $0x80, s5, s25, $0xb8;
	[tilespmem:$0x1C200] =	vst v63  }
0x32: {  	_ =	swait.ge [sflag:s0], $0x4000  }
0x33: {  	[sflag:s0] =	ssyncset.done $0x0  }
0x34: {  	[sflag:s0] =	ssyncadd.s32 $0xFFFFC000  }
0x35: {  	[spmem:s3] =	stream.indirect.scatter.add.f32 [tilespmem:s30], [sflag:$0x3], $0x80, s29, s25, $0xb8;
	[tilespmem:$0x1C200] =	vst v63  }
0x36: {  	_ =	swait.ge [sflag:s23], $0x4000  }
0x37: {  	[sflag:s23] =	ssyncset.done $0x0  }
0x38: {  	[sflag:s23] =	ssyncadd.s32 $0xFFFFC000  }
0x39: {  	[tilespmem:s28], [sflag:$0x3] =	stream.linear.gather [hbm4b:s16+s5], $0x80, $0x38;
	[tilespmem:$0x1C200] =	vst v63  }
0x3a: {  	_ =	swait.ge [sflag:s23], $0x80  }
0x3b: {  	[sflag:s23] =	ssyncset.done $0x0  }
0x3c: {  	[sflag:s23] =	ssyncadd.s32 $0xFFFFFF80  }
0x3d: {  	[tilespmem:s29], [sflag:$0x3] =	stream.linear.gather [hbm4b:s17+s5], $0x80, $0x38;
	[tilespmem:$0x1C200] =	vst v63  }
0x3e: {  	_ =	swait.ge [sflag:s23], $0x80  }
0x3f: {  	[sflag:s23] =	ssyncset.done $0x0  }
0x40: {  	[sflag:s23] =	ssyncadd.s32 $0xFFFFFF80  }
0x41: {  	[tilespmem:s30], [sflag:$0x2] =	stream.indirect.gather [hbm4b:s2+s25], $0x80, s28, s25, $0xb8;
	[tilespmem:$0x1C200] =	vst v63  }
0x42: {  	_ =	swait.ge [sflag:s31], $0x4000  }
0x43: {  	[sflag:s31] =	ssyncset.done $0x0  }
0x44: {  	[sflag:s31] =	ssyncadd.s32 $0xFFFFC000  }
0x45: {  	[spmem:s3] =	stream.indirect.scatter.add.f32 [tilespmem:s26], [sflag:$0x3], $0x80, s25, s25, $0xb8;
	[tilespmem:$0x1C200] =	vst v63  }
0x46: {  	_ =	swait.ge [sflag:s23], $0x4000  }
0x47: {  	[sflag:s23] =	ssyncset.done $0x0  }
0x48: {  	[sflag:s23] =	ssyncadd.s32 $0xFFFFC000  }
0x49: {  	_ =	swait.ge [sflag:s0], $0x4000  }
0x4a: {  	[sflag:s0] =	ssyncset.done $0x0  }
0x4b: {  	[sflag:s0] =	ssyncadd.s32 $0xFFFFC000  }
0x4c: {  	[spmem:s3] =	stream.indirect.scatter.add.f32 [tilespmem:s30], [sflag:$0x3], $0x80, s29, s25, $0xb8;
	[tilespmem:$0x1C200] =	vst v63  }
0x4d: {  	_ =	swait.ge [sflag:s23], $0x4000  }
0x4e: {  	[sflag:s23] =	ssyncset.done $0x0  }
0x4f: {  	[sflag:s23] =	ssyncadd.s32 $0xFFFFC000  }
0x50: {  	s9 =	smov.u32 s24;
	[bflag:$0x0] =	sbarrier.arrive $0xFFFF  }
.LBB2_8:
0x51: {  	s4 =	sadd.s32 $0x1, s4  }
0x52: {  	p1 =	sne.s32 s4, s13  }
.Ltmp1:
0x53: {  	_ = 	snop;
	(pc) =	sbr.rel @!p1 .LBB2_9-.Ltmp1, $4  }
0x54: {  	[hbm:s9], [sflag:s18] =	dma.local [spmem:s8], $0x2800  }
0x55: {  	_ =	swait.ge [sflag:s23], $0x2800  }
0x56: {  	[sflag:s23] =	ssyncset.done $0x0  }
0x57: {  	[sflag:s23] =	ssyncadd.s32 $0xFFFFD800  }
.LBB2_1:
0x58: {  	s8 =	sshrl.u32 s6, $0x3  }
0x59: {  	[spmem:s8], [sflag:s18] =	dma.local [hbm:s7], $0x2800  }
.Ltmp2:
0x5a: {  	_ =	swait.ge [sflag:s23], $0x2800;
	(pc) =	sbr.rel @!p0 .LBB2_2-.Ltmp2, $3  }
0x5b: {  	[sflag:s23] =	ssyncset.done $0x0  }
0x5c: {  	[sflag:s23] =	ssyncadd.s32 $0xFFFFD800  }
0x5d: {  	[bflag:$0x0] =	sbarrier.arrive $0xFFFF;
	_ =	sdelay $0x1  }
0x5e: {  	s9 =	rddreg [dreg:$0x8]  }
0x5f: {  	[tilespmem:s5], [sflag:$0x3] =	stream.linear.gather [hbm4b:s9+s5], $0x80, $0x38;
	[tilespmem:$0x1C200] =	vst v63  }
0x60: {  	_ =	swait.ge [sflag:s23], $0x80  }
0x61: {  	[sflag:s23] =	ssyncset.done $0x0  }
0x62: {  	s11 =	rddreg [dreg:$0x9];
	[sflag:s23] =	ssyncadd.s32 $0xFFFFFF80  }
0x63: {  	[tilespmem:s25], [sflag:$0x3] =	stream.linear.gather [hbm4b:s11+s5], $0x80, $0x38;
	[tilespmem:$0x1C200] =	vst v63  }
0x64: {  	_ =	swait.ge [sflag:s23], $0x80  }
0x65: {  	[sflag:s23] =	ssyncset.done $0x0  }
0x66: {  	s12 =	sadd.s32 $0xFFFFF640, s22;
	[sflag:s23] =	ssyncadd.s32 $0xFFFFFF80  }
0x67: {  	[tilespmem:s26], [sflag:$0x1] =	stream.indirect.gather [hbm4b:s2+s25], $0x80, s5, s25, $0xb8;
	[tilespmem:$0x1C200] =	vst v63  }
0x68: {  	s10 =	sadd.s32 $0x9D0, s12  }
0x69: {  	[tilespmem:s28], [sflag:$0x3] =	stream.linear.gather [hbm4b:s10+s5], $0x80, $0x38;
	[tilespmem:$0x1C200] =	vst v63  }
0x6a: {  	_ =	swait.ge [sflag:s23], $0x80  }
0x6b: {  	s14 =	sadd.s32 $0xFFFFF640, s21;
	[sflag:s23] =	ssyncset.done $0x0  }
0x6c: {  	s11 =	sadd.s32 $0x9D0, s14;
	[sflag:s23] =	ssyncadd.s32 $0xFFFFFF80  }
0x6d: {  	[tilespmem:s29], [sflag:$0x3] =	stream.linear.gather [hbm4b:s11+s5], $0x80, $0x38;
	[tilespmem:$0x1C200] =	vst v63  }
0x6e: {  	_ =	swait.ge [sflag:s23], $0x80  }
0x6f: {  	[sflag:s23] =	ssyncset.done $0x0  }
0x70: {  	[sflag:s23] =	ssyncadd.s32 $0xFFFFFF80  }
0x71: {  	[tilespmem:s30], [sflag:$0x2] =	stream.indirect.gather [hbm4b:s2+s25], $0x80, s28, s25, $0xb8;
	[tilespmem:$0x1C200] =	vst v63  }
0x72: {  	_ =	swait.ge [sflag:s31], $0x4000  }
0x73: {  	[sflag:s31] =	ssyncset.done $0x0  }
0x74: {  	[sflag:s31] =	ssyncadd.s32 $0xFFFFC000  }
0x75: {  	[spmem:s3] =	stream.indirect.scatter.add.f32 [tilespmem:s26], [sflag:$0x3], $0x80, s25, s25, $0xb8;
	[tilespmem:$0x1C200] =	vst v63  }
0x76: {  	_ =	swait.ge [sflag:s23], $0x4000  }
0x77: {  	[sflag:s23] =	ssyncset.done $0x0  }
0x78: {  	s9 =	sadd.s32 $0x9E0, s12;
	[sflag:s23] =	ssyncadd.s32 $0xFFFFC000  }
0x79: {  	[tilespmem:s5], [sflag:$0x3] =	stream.linear.gather [hbm4b:s9+s5], $0x80, $0x38;
	[tilespmem:$0x1C200] =	vst v63  }
0x7a: {  	_ =	swait.ge [sflag:s23], $0x80  }
0x7b: {  	[sflag:s23] =	ssyncset.done $0x0  }
0x7c: {  	s15 =	sadd.s32 $0x9E0, s14;
	[sflag:s23] =	ssyncadd.s32 $0xFFFFFF80  }
0x7d: {  	[tilespmem:s25], [sflag:$0x3] =	stream.linear.gather [hbm4b:s15+s5], $0x80, $0x38;
	[tilespmem:$0x1C200] =	vst v63  }
0x7e: {  	_ =	swait.ge [sflag:s23], $0x80  }
0x7f: {  	[sflag:s23] =	ssyncset.done $0x0  }
0x80: {  	[sflag:s23] =	ssyncadd.s32 $0xFFFFFF80  }
0x81: {  	[tilespmem:s26], [sflag:$0x1] =	stream.indirect.gather [hbm4b:s2+s25], $0x80, s5, s25, $0xb8;
	[tilespmem:$0x1C200] =	vst v63  }
0x82: {  	_ =	swait.ge [sflag:s0], $0x4000  }
0x83: {  	[sflag:s0] =	ssyncset.done $0x0  }
0x84: {  	[sflag:s0] =	ssyncadd.s32 $0xFFFFC000  }
0x85: {  	[spmem:s3] =	stream.indirect.scatter.add.f32 [tilespmem:s30], [sflag:$0x3], $0x80, s29, s25, $0xb8;
	[tilespmem:$0x1C200] =	vst v63  }
0x86: {  	s12 =	sadd.s32 $0xFFFFF660, s22;
	_ =	swait.ge [sflag:s23], $0x4000  }
0x87: {  	s10 =	simm.s32 $0xFFFFF680;
	s9 =	simm.s32 $0xFFFFF660;
	[sflag:s23] =	ssyncset.done $0x0  }
.LBB2_6:
0x88: {  	s14 =	sadd.s32 $0x9D0, s12  }
0x89: {  	[sflag:s23] =	ssyncadd.s32 $0xFFFFC000;
	s15 =	smov.u32 s10;
	s11 =	sadd.s32 $0x20, s10  }
0x8a: {  	[tilespmem:s28], [sflag:$0x3] =	stream.linear.gather [hbm4b:s14+s5], $0x80, $0x38;
	[tilespmem:$0x1C200] =	vst v63  }
0x8b: {  	p1 =	sne.s32 s10, $0xFFFFFFE0;
	_ =	swait.ge [sflag:s23], $0x80  }
0x8c: {  	s10 =	sadd.s32 s9, s21;
	s9 =	smov.u32 s15;
	[sflag:s23] =	ssyncset.done $0x0  }
0x8d: {  	s14 =	sadd.s32 $0x9D0, s10;
	[sflag:s23] =	ssyncadd.s32 $0xFFFFFF80  }
0x8e: {  	[tilespmem:s29], [sflag:$0x3] =	stream.linear.gather [hbm4b:s14+s5], $0x80, $0x38;
	[tilespmem:$0x1C200] =	vst v63  }
0x8f: {  	_ =	swait.ge [sflag:s23], $0x80  }
0x90: {  	[sflag:s23] =	ssyncset.done $0x0  }
0x91: {  	[sflag:s23] =	ssyncadd.s32 $0xFFFFFF80  }
0x92: {  	[tilespmem:s30], [sflag:$0x2] =	stream.indirect.gather [hbm4b:s2+s25], $0x80, s28, s25, $0xb8;
	[tilespmem:$0x1C200] =	vst v63  }
0x93: {  	_ =	swait.ge [sflag:s31], $0x4000  }
0x94: {  	[sflag:s31] =	ssyncset.done $0x0  }
0x95: {  	[sflag:s31] =	ssyncadd.s32 $0xFFFFC000  }
0x96: {  	[spmem:s3] =	stream.indirect.scatter.add.f32 [tilespmem:s26], [sflag:$0x3], $0x80, s25, s25, $0xb8;
	[tilespmem:$0x1C200] =	vst v63  }
0x97: {  	_ =	swait.ge [sflag:s23], $0x4000  }
0x98: {  	[sflag:s23] =	ssyncset.done $0x0  }
0x99: {  	s12 =	sadd.s32 $0x9E0, s12;
	[sflag:s23] =	ssyncadd.s32 $0xFFFFC000  }
0x9a: {  	[tilespmem:s5], [sflag:$0x3] =	stream.linear.gather [hbm4b:s12+s5], $0x80, $0x38;
	[tilespmem:$0x1C200] =	vst v63  }
0x9b: {  	_ =	swait.ge [sflag:s23], $0x80  }
0x9c: {  	[sflag:s23] =	ssyncset.done $0x0  }
0x9d: {  	s10 =	sadd.s32 $0x9E0, s10;
	[sflag:s23] =	ssyncadd.s32 $0xFFFFFF80  }
0x9e: {  	[tilespmem:s25], [sflag:$0x3] =	stream.linear.gather [hbm4b:s10+s5], $0x80, $0x38;
	[tilespmem:$0x1C200] =	vst v63  }
0x9f: {  	_ =	swait.ge [sflag:s23], $0x80  }
0xa0: {  	[sflag:s23] =	ssyncset.done $0x0  }
0xa1: {  	[sflag:s23] =	ssyncadd.s32 $0xFFFFFF80  }
0xa2: {  	[tilespmem:s26], [sflag:$0x1] =	stream.indirect.gather [hbm4b:s2+s25], $0x80, s5, s25, $0xb8;
	[tilespmem:$0x1C200] =	vst v63  }
0xa3: {  	_ =	swait.ge [sflag:s0], $0x4000  }
.Ltmp3:
0xa4: {  	[sflag:s0] =	ssyncset.done $0x0;
	(pc) =	sbr.rel @p1 .LBB2_6-.Ltmp3, $4  }
0xa5: {  	[sflag:s0] =	ssyncadd.s32 $0xFFFFC000  }
0xa6: {  	[spmem:s3] =	stream.indirect.scatter.add.f32 [tilespmem:s30], [sflag:$0x3], $0x80, s29, s25, $0xb8;
	[tilespmem:$0x1C200] =	vst v63  }
0xa7: {  	_ =	swait.ge [sflag:s23], $0x4000  }
0xa8: {  	s12 =	sadd.s32 s9, s22;
	s10 =	smov.u32 s11;
	[sflag:s23] =	ssyncset.done $0x0  }
.Ltmp4:
0xa9: {  	_ = 	snop;
	(pc) =	sbr.rel .LBB2_7-.Ltmp4, $1  }
0xaa: {  	_ =	sdelay $0x3  }
.LBB2_2:
0xab: {  	s9 =	rddreg [dreg:$0x5]  }
0xac: {  	[tilespmem:s5], [sflag:$0x3] =	stream.linear.gather [hbm4b:s9+s5], $0x80, $0x38;
	[tilespmem:$0x1C200] =	vst v63  }
0xad: {  	_ =	swait.ge [sflag:s23], $0x80  }
0xae: {  	[sflag:s23] =	ssyncset.done $0x0  }
0xaf: {  	s11 =	rddreg [dreg:$0x6];
	[sflag:s23] =	ssyncadd.s32 $0xFFFFFF80  }
0xb0: {  	[tilespmem:s25], [sflag:$0x3] =	stream.linear.gather [hbm4b:s11+s5], $0x80, $0x38;
	[tilespmem:$0x1C200] =	vst v63  }
0xb1: {  	_ =	swait.ge [sflag:s23], $0x80  }
0xb2: {  	[sflag:s23] =	ssyncset.done $0x0  }
0xb3: {  	s12 =	sadd.s32 $0xFFFFF640, s20;
	[sflag:s23] =	ssyncadd.s32 $0xFFFFFF80  }
0xb4: {  	[tilespmem:s26], [sflag:$0x1] =	stream.indirect.gather [hbm4b:s1+s25], $0x80, s5, s25, $0xb8;
	[tilespmem:$0x1C200] =	vst v63  }
0xb5: {  	s10 =	sadd.s32 $0x9D0, s12  }
0xb6: {  	[tilespmem:s28], [sflag:$0x3] =	stream.linear.gather [hbm4b:s10+s5], $0x80, $0x38;
	[tilespmem:$0x1C200] =	vst v63  }
0xb7: {  	_ =	swait.ge [sflag:s23], $0x80  }
0xb8: {  	s14 =	sadd.s32 $0xFFFFF640, s19;
	[sflag:s23] =	ssyncset.done $0x0  }
0xb9: {  	s11 =	sadd.s32 $0x9D0, s14;
	[sflag:s23] =	ssyncadd.s32 $0xFFFFFF80  }
0xba: {  	[tilespmem:s29], [sflag:$0x3] =	stream.linear.gather [hbm4b:s11+s5], $0x80, $0x38;
	[tilespmem:$0x1C200] =	vst v63  }
0xbb: {  	_ =	swait.ge [sflag:s23], $0x80  }
0xbc: {  	[sflag:s23] =	ssyncset.done $0x0  }
0xbd: {  	[sflag:s23] =	ssyncadd.s32 $0xFFFFFF80  }
0xbe: {  	[tilespmem:s30], [sflag:$0x2] =	stream.indirect.gather [hbm4b:s1+s25], $0x80, s28, s25, $0xb8;
	[tilespmem:$0x1C200] =	vst v63  }
0xbf: {  	_ =	swait.ge [sflag:s31], $0x4000  }
0xc0: {  	[sflag:s31] =	ssyncset.done $0x0  }
0xc1: {  	[sflag:s31] =	ssyncadd.s32 $0xFFFFC000  }
0xc2: {  	[spmem:s3] =	stream.indirect.scatter.add.f32 [tilespmem:s26], [sflag:$0x3], $0x80, s25, s25, $0xb8;
	[tilespmem:$0x1C200] =	vst v63  }
0xc3: {  	_ =	swait.ge [sflag:s23], $0x4000  }
0xc4: {  	[sflag:s23] =	ssyncset.done $0x0  }
0xc5: {  	s9 =	sadd.s32 $0x9E0, s12;
	[sflag:s23] =	ssyncadd.s32 $0xFFFFC000  }
0xc6: {  	[tilespmem:s5], [sflag:$0x3] =	stream.linear.gather [hbm4b:s9+s5], $0x80, $0x38;
	[tilespmem:$0x1C200] =	vst v63  }
0xc7: {  	_ =	swait.ge [sflag:s23], $0x80  }
0xc8: {  	[sflag:s23] =	ssyncset.done $0x0  }
0xc9: {  	s15 =	sadd.s32 $0x9E0, s14;
	[sflag:s23] =	ssyncadd.s32 $0xFFFFFF80  }
0xca: {  	[tilespmem:s25], [sflag:$0x3] =	stream.linear.gather [hbm4b:s15+s5], $0x80, $0x38;
	[tilespmem:$0x1C200] =	vst v63  }
0xcb: {  	_ =	swait.ge [sflag:s23], $0x80  }
0xcc: {  	[sflag:s23] =	ssyncset.done $0x0  }
0xcd: {  	[sflag:s23] =	ssyncadd.s32 $0xFFFFFF80  }
0xce: {  	[tilespmem:s26], [sflag:$0x1] =	stream.indirect.gather [hbm4b:s1+s25], $0x80, s5, s25, $0xb8;
	[tilespmem:$0x1C200] =	vst v63  }
0xcf: {  	_ =	swait.ge [sflag:s0], $0x4000  }
0xd0: {  	[sflag:s0] =	ssyncset.done $0x0  }
0xd1: {  	[sflag:s0] =	ssyncadd.s32 $0xFFFFC000  }
0xd2: {  	[spmem:s3] =	stream.indirect.scatter.add.f32 [tilespmem:s30], [sflag:$0x3], $0x80, s29, s25, $0xb8;
	[tilespmem:$0x1C200] =	vst v63  }
0xd3: {  	s12 =	sadd.s32 $0xFFFFF660, s20;
	_ =	swait.ge [sflag:s23], $0x4000  }
0xd4: {  	s11 =	simm.s32 $0xFFFFF680;
	s9 =	simm.s32 $0xFFFFF660;
	[sflag:s23] =	ssyncset.done $0x0  }
.LBB2_3:
0xd5: {  	s14 =	sadd.s32 $0x9D0, s12  }
0xd6: {  	[sflag:s23] =	ssyncadd.s32 $0xFFFFC000;
	s15 =	smov.u32 s11;
	s10 =	sadd.s32 $0x20, s11  }
0xd7: {  	[tilespmem:s28], [sflag:$0x3] =	stream.linear.gather [hbm4b:s14+s5], $0x80, $0x38;
	[tilespmem:$0x1C200] =	vst v63  }
0xd8: {  	p1 =	sne.s32 s11, $0xFFFFFFE0;
	_ =	swait.ge [sflag:s23], $0x80  }
0xd9: {  	s11 =	sadd.s32 s9, s19;
	s9 =	smov.u32 s15;
	[sflag:s23] =	ssyncset.done $0x0  }
0xda: {  	s14 =	sadd.s32 $0x9D0, s11;
	[sflag:s23] =	ssyncadd.s32 $0xFFFFFF80  }
0xdb: {  	[tilespmem:s29], [sflag:$0x3] =	stream.linear.gather [hbm4b:s14+s5], $0x80, $0x38;
	[tilespmem:$0x1C200] =	vst v63  }
0xdc: {  	_ =	swait.ge [sflag:s23], $0x80  }
0xdd: {  	[sflag:s23] =	ssyncset.done $0x0  }
0xde: {  	[sflag:s23] =	ssyncadd.s32 $0xFFFFFF80  }
0xdf: {  	[tilespmem:s30], [sflag:$0x2] =	stream.indirect.gather [hbm4b:s1+s25], $0x80, s28, s25, $0xb8;
	[tilespmem:$0x1C200] =	vst v63  }
0xe0: {  	_ =	swait.ge [sflag:s31], $0x4000  }
0xe1: {  	[sflag:s31] =	ssyncset.done $0x0  }
0xe2: {  	[sflag:s31] =	ssyncadd.s32 $0xFFFFC000  }
0xe3: {  	[spmem:s3] =	stream.indirect.scatter.add.f32 [tilespmem:s26], [sflag:$0x3], $0x80, s25, s25, $0xb8;
	[tilespmem:$0x1C200] =	vst v63  }
0xe4: {  	_ =	swait.ge [sflag:s23], $0x4000  }
0xe5: {  	[sflag:s23] =	ssyncset.done $0x0  }
0xe6: {  	s12 =	sadd.s32 $0x9E0, s12;
	[sflag:s23] =	ssyncadd.s32 $0xFFFFC000  }
0xe7: {  	[tilespmem:s5], [sflag:$0x3] =	stream.linear.gather [hbm4b:s12+s5], $0x80, $0x38;
	[tilespmem:$0x1C200] =	vst v63  }
0xe8: {  	_ =	swait.ge [sflag:s23], $0x80  }
0xe9: {  	[sflag:s23] =	ssyncset.done $0x0  }
0xea: {  	s11 =	sadd.s32 $0x9E0, s11;
	[sflag:s23] =	ssyncadd.s32 $0xFFFFFF80  }
0xeb: {  	[tilespmem:s25], [sflag:$0x3] =	stream.linear.gather [hbm4b:s11+s5], $0x80, $0x38;
	[tilespmem:$0x1C200] =	vst v63  }
0xec: {  	_ =	swait.ge [sflag:s23], $0x80  }
0xed: {  	[sflag:s23] =	ssyncset.done $0x0  }
0xee: {  	[sflag:s23] =	ssyncadd.s32 $0xFFFFFF80  }
0xef: {  	[tilespmem:s26], [sflag:$0x1] =	stream.indirect.gather [hbm4b:s1+s25], $0x80, s5, s25, $0xb8;
	[tilespmem:$0x1C200] =	vst v63  }
0xf0: {  	_ =	swait.ge [sflag:s0], $0x4000  }
.Ltmp5:
0xf1: {  	[sflag:s0] =	ssyncset.done $0x0;
	(pc) =	sbr.rel @p1 .LBB2_3-.Ltmp5, $4  }
0xf2: {  	[sflag:s0] =	ssyncadd.s32 $0xFFFFC000  }
0xf3: {  	[spmem:s3] =	stream.indirect.scatter.add.f32 [tilespmem:s30], [sflag:$0x3], $0x80, s29, s25, $0xb8;
	[tilespmem:$0x1C200] =	vst v63  }
0xf4: {  	_ =	swait.ge [sflag:s23], $0x4000  }
0xf5: {  	s12 =	sadd.s32 s9, s20;
	s11 =	smov.u32 s10;
	[sflag:s23] =	ssyncset.done $0x0  }
0xf6: {  	s10 =	sadd.s32 $0x9D0, s12;
	[sflag:s23] =	ssyncadd.s32 $0xFFFFC000  }
0xf7: {  	[tilespmem:s28], [sflag:$0x3] =	stream.linear.gather [hbm4b:s10+s5], $0x80, $0x38;
	[tilespmem:$0x1C200] =	vst v63  }
0xf8: {  	_ =	swait.ge [sflag:s23], $0x80  }
0xf9: {  	s9 =	sadd.s32 s9, s19;
	[sflag:s23] =	ssyncset.done $0x0  }
0xfa: {  	s11 =	sadd.s32 $0x9D0, s9;
	[sflag:s23] =	ssyncadd.s32 $0xFFFFFF80  }
0xfb: {  	[tilespmem:s29], [sflag:$0x3] =	stream.linear.gather [hbm4b:s11+s5], $0x80, $0x38;
	[tilespmem:$0x1C200] =	vst v63  }
0xfc: {  	_ =	swait.ge [sflag:s23], $0x80  }
0xfd: {  	[sflag:s23] =	ssyncset.done $0x0  }
0xfe: {  	[sflag:s23] =	ssyncadd.s32 $0xFFFFFF80  }
0xff: {  	[tilespmem:s30], [sflag:$0x2] =	stream.indirect.gather [hbm4b:s1+s25], $0x80, s28, s25, $0xb8;
	[tilespmem:$0x1C200] =	vst v63  }
0x100: {  	_ =	swait.ge [sflag:s31], $0x4000  }
0x101: {  	[sflag:s31] =	ssyncset.done $0x0  }
0x102: {  	[sflag:s31] =	ssyncadd.s32 $0xFFFFC000  }
0x103: {  	[spmem:s3] =	stream.indirect.scatter.add.f32 [tilespmem:s26], [sflag:$0x3], $0x80, s25, s25, $0xb8;
	[tilespmem:$0x1C200] =	vst v63  }
0x104: {  	_ =	swait.ge [sflag:s23], $0x4000  }
0x105: {  	[sflag:s23] =	ssyncset.done $0x0  }
0x106: {  	s12 =	sadd.s32 $0x9E0, s12;
	[sflag:s23] =	ssyncadd.s32 $0xFFFFC000  }
0x107: {  	[tilespmem:s5], [sflag:$0x3] =	stream.linear.gather [hbm4b:s12+s5], $0x80, $0x38;
	[tilespmem:$0x1C200] =	vst v63  }
0x108: {  	_ =	swait.ge [sflag:s23], $0x80  }
0x109: {  	[sflag:s23] =	ssyncset.done $0x0  }
0x10a: {  	s9 =	sadd.s32 $0x9E0, s9;
	[sflag:s23] =	ssyncadd.s32 $0xFFFFFF80  }
0x10b: {  	[tilespmem:s25], [sflag:$0x3] =	stream.linear.gather [hbm4b:s9+s5], $0x80, $0x38;
	[tilespmem:$0x1C200] =	vst v63  }
0x10c: {  	_ =	swait.ge [sflag:s23], $0x80  }
0x10d: {  	[sflag:s23] =	ssyncset.done $0x0  }
0x10e: {  	[sflag:s23] =	ssyncadd.s32 $0xFFFFFF80  }
0x10f: {  	[tilespmem:s26], [sflag:$0x1] =	stream.indirect.gather [hbm4b:s1+s25], $0x80, s5, s25, $0xb8;
	[tilespmem:$0x1C200] =	vst v63  }
0x110: {  	_ =	swait.ge [sflag:s0], $0x4000  }
0x111: {  	[sflag:s0] =	ssyncset.done $0x0  }
0x112: {  	[sflag:s0] =	ssyncadd.s32 $0xFFFFC000  }
0x113: {  	[spmem:s3] =	stream.indirect.scatter.add.f32 [tilespmem:s30], [sflag:$0x3], $0x80, s29, s25, $0xb8;
	[tilespmem:$0x1C200] =	vst v63  }
0x114: {  	_ =	swait.ge [sflag:s23], $0x4000  }
0x115: {  	[sflag:s23] =	ssyncset.done $0x0  }
0x116: {  	s14 =	rddreg [dreg:$0xa];
	[sflag:s23] =	ssyncadd.s32 $0xFFFFC000  }
0x117: {  	[tilespmem:s28], [sflag:$0x3] =	stream.linear.gather [hbm4b:s14+s5], $0x80, $0x38;
	[tilespmem:$0x1C200] =	vst v63  }
0x118: {  	_ =	swait.ge [sflag:s23], $0x80  }
0x119: {  	[sflag:s23] =	ssyncset.done $0x0  }
0x11a: {  	s15 =	rddreg [dreg:$0xb];
	[sflag:s23] =	ssyncadd.s32 $0xFFFFFF80  }
0x11b: {  	[tilespmem:s29], [sflag:$0x3] =	stream.linear.gather [hbm4b:s15+s5], $0x80, $0x38;
	[tilespmem:$0x1C200] =	vst v63  }
0x11c: {  	_ =	swait.ge [sflag:s23], $0x80  }
0x11d: {  	[sflag:s23] =	ssyncset.done $0x0  }
0x11e: {  	[sflag:s23] =	ssyncadd.s32 $0xFFFFFF80  }
0x11f: {  	[tilespmem:s30], [sflag:$0x2] =	stream.indirect.gather [hbm4b:s1+s25], $0x80, s28, s25, $0xb8;
	[tilespmem:$0x1C200] =	vst v63  }
0x120: {  	_ =	swait.ge [sflag:s31], $0x4000  }
0x121: {  	[sflag:s31] =	ssyncset.done $0x0  }
0x122: {  	[sflag:s31] =	ssyncadd.s32 $0xFFFFC000  }
0x123: {  	[spmem:s3] =	stream.indirect.scatter.add.f32 [tilespmem:s26], [sflag:$0x3], $0x80, s25, s25, $0xb8;
	[tilespmem:$0x1C200] =	vst v63  }
0x124: {  	_ =	swait.ge [sflag:s23], $0x4000  }
0x125: {  	[sflag:s23] =	ssyncset.done $0x0  }
0x126: {  	[sflag:s23] =	ssyncadd.s32 $0xFFFFC000  }
0x127: {  	_ =	swait.ge [sflag:s0], $0x4000  }
0x128: {  	[sflag:s0] =	ssyncset.done $0x0  }
0x129: {  	[sflag:s0] =	ssyncadd.s32 $0xFFFFC000  }
0x12a: {  	[spmem:s3] =	stream.indirect.scatter.add.f32 [tilespmem:s30], [sflag:$0x3], $0x80, s29, s25, $0xb8;
	[tilespmem:$0x1C200] =	vst v63  }
.Ltmp6:
0x12b: {  	_ =	swait.ge [sflag:s23], $0x4000;
	(pc) =	sbr.rel .LBB2_8-.Ltmp6, $4  }
0x12c: {  	[sflag:s23] =	ssyncset.done $0x0  }
0x12d: {  	[sflag:s23] =	ssyncadd.s32 $0xFFFFC000  }
0x12e: {  	[bflag:$0x0] =	sbarrier.arrive $0xFFFF  }
0x12f: {  	s9 =	rddreg [dreg:$0x7]  }
.LBB2_9:
0x130: {  	_ =	sfence.sel $0x180000  }
0x131: {  	[bflag:$0x0] =	sbarrier.arrive $0xFFFF  }
0x132: {  	_ =	strace $0x90000047  }
0x133: {  	s0 =	stileid.u32;
	[bflag:$0x2] =	sbarrier.arrive $0xFFFF  }
0x134: {  	p0 =	sne.s32 s0, $0x0;
	s0 =	rddreg [dreg:$0x4]  }
0x135: {  	s0 =	sadd.s32 @!p0 $0x100000, s0  }
0x136: {  	[sflag:s0] =	ssyncadd.tile.s32 @!p0 $0x1;
	_ =	shalt  }
.Lfunc_end2:
_tile_overlayer_lowered:
.L_overlay_start_2:
0x137: {  	(tag) =	ssettag $0x2  }
0x138: {  	s0 =	rddreg [dreg:$0x0];
	s2 =	stileid.u32  }
0x139: {  	s1 =	rddreg [dreg:$0x1];
	p0 =	sne.s32 s2, $0x0  }
0x13a: {  	s3 =	rddreg [dreg:$0x2];
	[bflag:$0x3] =	sbarrier.arrive $0xFFFF;
	s2 =	simm.s32 @!p0 $0x1C03  }
0x13b: {  	[timem:s3], [sflag:s2] =	dma.local @!p0 [hbm:s0], s1  }
0x13c: {  	s0 =	simm.s32 @!p0 $0x3  }
0x13d: {  	_ =	swait.ge @!p0 [sflag:s0], s1  }
0x13e: {  	s1 =	ssub.s32 @!p0 $0x0, s1;
	[sflag:s0] =	ssyncset.done @!p0 $0x0  }
0x13f: {  	[sflag:s0] =	ssyncadd.s32 @!p0 s1  }
0x140: {  	[bflag:$0x3] =	sbarrier.arrive $0xFFFF  }
0x141: {  	_ =	shalt  }

</sc_bundles>
